<compile_context>
chip_gen: v7x
topology: tpu7x:2x2x1
jax: 0.10.2.dev20260603
libtpu: 0.0.44.dev20260713+nightly
codegen_flags: <defaults>
</compile_context>

<pallas_src>
import functools

import jax
import jax.numpy as jnp
from jax import lax
from jax.experimental import pallas as pl
from jax.experimental.pallas import tpu as pltpu
from jax.experimental.pallas import tpu_sc as plsc

N = 10000
E = 320000
NFEAT = 128
NHID = 256
NCLASS = 64
K = 10

NC = 2
NT = 16
F = NCLASS // NC
CH = 128

NP = -(-N // (NT * 2 * 160)) * (NT * 2 * 160)
RN = NP // NT
HB = RN // 2
EP = -(-E // (NC * NT * CH)) * (NC * NT * CH)
NJ3 = EP // (NT * CH)
NJ1 = EP // (NC * NT * CH)

RB = 1024


def _k1_body(cols_hbm, deg01_hbm, deg_sh, cols_b, ones_v, zrow):
    c = lax.axis_index("c")
    s = lax.axis_index("s")
    w = c * NT + s
    r0 = s * RN

    z16 = jnp.zeros((16,), jnp.float32)
    o16 = jnp.ones((16,), jnp.float32)

    def _z(i, carry):
        zrow[pl.ds(i * 16, 16)] = z16
        return carry
    lax.fori_loop(0, RN // 16, _z, 0)

    def _o(i, carry):
        ones_v[pl.ds(i * 16, 16)] = o16
        return carry
    lax.fori_loop(0, CH // 16, _o, 0)

    pltpu.sync_copy(zrow, deg_sh.at[pl.ds(r0, RN)])
    plsc.subcore_barrier()

    def _edge(j, carry):
        pltpu.sync_copy(cols_hbm.at[w, j], cols_b)
        pltpu.sync_copy(ones_v, deg_sh.at[cols_b], add=True)
        return carry
    lax.fori_loop(0, NJ1, _edge, 0)
    plsc.subcore_barrier()

    pltpu.sync_copy(deg_sh.at[pl.ds(r0, RN)], zrow)
    pltpu.sync_copy(zrow, deg01_hbm.at[c, pl.ds(r0, RN)])


_k1 = functools.partial(
    pl.kernel,
    out_type=jax.ShapeDtypeStruct((NC, NP), jnp.float32),
    mesh=plsc.VectorSubcoreMesh(core_axis_name="c", subcore_axis_name="s"),
    compiler_params=pltpu.CompilerParams(use_tc_tiling_on_sc=False),
    scratch_types=[
        pltpu.VMEM_SHARED((NP,), jnp.float32),
        pltpu.VMEM((CH,), jnp.int32),
        pltpu.VMEM((CH,), jnp.float32),
        pltpu.VMEM((RN,), jnp.float32),
    ],
)(_k1_body)



def _k2_body(x_ref, w1_ref, b1_ref, w2_ref, b2_ref, deg_ref,
             u0_ref, invdeg_ref, sqd_ref):
    i = pl.program_id(0)
    xb = x_ref[...]
    h1 = lax.dot_general(xb, w1_ref[...], (((1,), (1,)), ((), ())),
                         preferred_element_type=jnp.float32) + b1_ref[...]
    h1 = jnp.maximum(h1, 0.0)
    h0 = lax.dot_general(h1, w2_ref[...], (((1,), (1,)), ((), ())),
                         preferred_element_type=jnp.float32) + b2_ref[...]
    degb = 1.0 + deg_ref[:, 0:1] + deg_ref[:, 1:2]
    rows = i * RB + lax.broadcasted_iota(jnp.int32, (RB, 1), 0)
    u0 = jnp.where(rows < N, h0 * lax.rsqrt(degb), 0.0)
    u0_ref[0] = u0[:, :F]
    u0_ref[1] = u0[:, F:]
    invdeg_ref[...] = jnp.broadcast_to(1.0 / degb, (RB, F))
    sqd_ref[...] = jnp.sqrt(degb)


_k2 = pl.pallas_call(
    _k2_body,
    grid=(NP // RB,),
    in_specs=[
        pl.BlockSpec((RB, NFEAT), lambda i: (i, 0)),
        pl.BlockSpec((NHID, NFEAT), lambda i: (0, 0)),
        pl.BlockSpec((1, NHID), lambda i: (0, 0)),
        pl.BlockSpec((NCLASS, NHID), lambda i: (0, 0)),
        pl.BlockSpec((1, NCLASS), lambda i: (0, 0)),
        pl.BlockSpec((RB, 2), lambda i: (i, 0)),
    ],
    out_specs=[
        pl.BlockSpec((NC, RB, F), lambda i: (0, i, 0)),
        pl.BlockSpec((RB, F), lambda i: (i, 0)),
        pl.BlockSpec((RB, 1), lambda i: (i, 0)),
    ],
    out_shape=[
        jax.ShapeDtypeStruct((NC, NP, F), jnp.float32),
        jax.ShapeDtypeStruct((NP, F), jnp.float32),
        jax.ShapeDtypeStruct((NP, 1), jnp.float32),
    ],
)



def _k3_body(u0_hbm, rows_hbm, cols_hbm, invdeg_hbm, temp_hbm, acc_hbm,
             u_sh, s_sh, rows_b, cols_b, msg, acc_t, w_t,
             stg_a, stg_b, temp_v):
    c = lax.axis_index("c")
    s = lax.axis_index("s")
    r0 = s * RN

    z16 = jnp.zeros((16,), jnp.float32)

    pltpu.sync_copy(temp_hbm, temp_v)
    pltpu.sync_copy(invdeg_hbm.at[pl.ds(r0, RN)], w_t)

    t0 = temp_v[0, pl.ds(0, 16)]
    for blk in range(RN // HB):
        rb = r0 + blk * HB
        pltpu.sync_copy(u0_hbm.at[c, pl.ds(rb, HB)], stg_a)

        def _a(i, carry, blk=blk):
            for h in range(2):
                sl = pl.ds(h * 16, 16)
                acc_t[blk * HB + i, sl] = t0 * stg_a[i, sl]
                stg_b[i, sl] = z16
            return carry
        lax.fori_loop(0, HB, _a, 0)
        pltpu.sync_copy(stg_a, u_sh.at[pl.ds(rb, HB)])
        pltpu.sync_copy(stg_b, s_sh.at[pl.ds(rb, HB)])
    plsc.subcore_barrier()

    def _hop(k, carry):
        def _edge(j, ecarry):
            pltpu.sync_copy(rows_hbm.at[s, j], rows_b)
            pltpu.sync_copy(cols_hbm.at[s, j], cols_b)
            pltpu.sync_copy(u_sh.at[rows_b], msg)
            pltpu.sync_copy(msg, s_sh.at[cols_b], add=True)
            return ecarry
        lax.fori_loop(0, NJ3, _edge, 0)
        plsc.subcore_barrier()

        tk = temp_v[k, pl.ds(0, 16)]
        for blk in range(RN // HB):
            rb = r0 + blk * HB
            pltpu.sync_copy(s_sh.at[pl.ds(rb, HB)], stg_a)
            pltpu.sync_copy(u_sh.at[pl.ds(rb, HB)], stg_b)

            def _n(i, ncarry, blk=blk):
                for h in range(2):
                    sl = pl.ds(h * 16, 16)
                    un = (stg_a[i, sl] + stg_b[i, sl]) * w_t[blk * HB + i, sl]
                    stg_b[i, sl] = un
                    stg_a[i, sl] = z16
                    acc_t[blk * HB + i, sl] = acc_t[blk * HB + i, sl] + tk * un
                return ncarry
            lax.fori_loop(0, HB, _n, 0)
            pltpu.sync_copy(stg_b, u_sh.at[pl.ds(rb, HB)])
            pltpu.sync_copy(stg_a, s_sh.at[pl.ds(rb, HB)])
        plsc.subcore_barrier()
        return carry
    lax.fori_loop(1, K + 1, _hop, 0)

    pltpu.sync_copy(acc_t, acc_hbm.at[c, pl.ds(r0, RN)])


_k3 = functools.partial(
    pl.kernel,
    out_type=jax.ShapeDtypeStruct((NC, NP, F), jnp.float32),
    mesh=plsc.VectorSubcoreMesh(core_axis_name="c", subcore_axis_name="s"),
    compiler_params=pltpu.CompilerParams(use_tc_tiling_on_sc=False),
    scratch_types=[
        pltpu.VMEM_SHARED((NP, F), jnp.float32),
        pltpu.VMEM_SHARED((NP, F), jnp.float32),
        pltpu.VMEM((CH,), jnp.int32),
        pltpu.VMEM((CH,), jnp.int32),
        pltpu.VMEM((CH, F), jnp.float32),
        pltpu.VMEM((RN, F), jnp.float32),
        pltpu.VMEM((RN, F), jnp.float32),
        pltpu.VMEM((HB, F), jnp.float32),
        pltpu.VMEM((HB, F), jnp.float32),
        pltpu.VMEM((16, 16), jnp.float32),
    ],
)(_k3_body)



def _k4_body(acc_ref, sqd_ref, out_ref):
    v = jnp.concatenate([acc_ref[0], acc_ref[1]], axis=1) * sqd_ref[...]
    m = jnp.max(v, axis=1, keepdims=True)
    e = jnp.exp(v - m)
    lse = jnp.log(jnp.sum(e, axis=1, keepdims=True))
    out_ref[...] = v - m - lse


_k4 = pl.pallas_call(
    _k4_body,
    grid=(NP // RB,),
    in_specs=[
        pl.BlockSpec((NC, RB, F), lambda i: (0, i, 0)),
        pl.BlockSpec((RB, 1), lambda i: (i, 0)),
    ],
    out_specs=pl.BlockSpec((RB, NCLASS), lambda i: (i, 0)),
    out_shape=jax.ShapeDtypeStruct((NP, NCLASS), jnp.float32),
)



def kernel(x, edge_index, W1, b1, W2, b2, temp):
    xp = jnp.pad(x, ((0, NP - N), (0, 0)))
    rows = edge_index[0]
    cols = edge_index[1]
    npad = EP - E
    padn = (N + (jnp.arange(npad, dtype=jnp.int32) % (NP - N))).astype(jnp.int32)
    rows3 = jnp.concatenate([rows, padn]).reshape(NT, NJ3, CH)
    cols_flat = jnp.concatenate([cols, padn])
    cols3 = cols_flat.reshape(NT, NJ3, CH)
    cols1 = cols_flat.reshape(NC * NT, NJ1, CH)
    temp_pad = jnp.pad(temp.astype(jnp.float32), (0, 16 - (K + 1)))
    temp_exp = jnp.tile(temp_pad[:, None], (1, 16))

    deg01 = _k1(cols1)
    degT = deg01.T
    u0, invdeg, sqd = _k2(xp, W1, b1.reshape(1, NHID), W2, b2.reshape(1, NCLASS), degT)
    acc = _k3(u0, rows3, cols3, invdeg, temp_exp)
    outp = _k4(acc, sqd)
    return outp[:N]

# --- scband reference (transcript-rebuilt; emitter-appended) ---
"""Pipeline reference for scband-gprgnn-70188355551840 (READ-ONLY COPY).

The authoritative reference and input builder live on the scoring server;
editing this copy changes nothing except your own understanding.
"""

import jax, jax.numpy as jnp
import numpy as np

N = 10000
E = 320000
NFEAT = 128
NHID = 256
NCLASS = 64
K = 10
ALPHA = 0.1


def setup_inputs(seed: int = 0) -> dict:
    key = jax.random.key(seed)
    ks = jax.random.split(key, 8)
    x = jax.random.normal(ks[0], (N, NFEAT), dtype=jnp.float32)
    edge_index = jax.random.randint(ks[1], (2, E), 0, N, dtype=jnp.int32)
    W1 = jax.random.normal(ks[2], (NHID, NFEAT), dtype=jnp.float32) * (1.0 / np.sqrt(NFEAT))
    b1 = jnp.zeros((NHID,), dtype=jnp.float32)
    W2 = jax.random.normal(ks[3], (NCLASS, NHID), dtype=jnp.float32) * (1.0 / np.sqrt(NHID))
    b2 = jnp.zeros((NCLASS,), dtype=jnp.float32)
    temp_np = ALPHA * (1.0 - ALPHA) ** np.arange(K + 1)
    temp_np[-1] = (1.0 - ALPHA) ** K
    temp = jnp.asarray(temp_np, dtype=jnp.float32)
    return {"x": x, "edge_index": edge_index, "W1": W1, "b1": b1, "W2": W2, "b2": b2, "temp": temp}


def gcn_norm(edge_index, num_nodes):
    # add self loops, symmetric normalization (PyG gcn_norm default)
    loop = jnp.arange(num_nodes, dtype=edge_index.dtype)
    row = jnp.concatenate([edge_index[0], loop])
    col = jnp.concatenate([edge_index[1], loop])
    deg = jnp.zeros((num_nodes,), dtype=jnp.float32).at[col].add(1.0)
    dinv = jnp.where(deg > 0, jax.lax.rsqrt(jnp.maximum(deg, 1e-12)), 0.0)
    norm = dinv[row] * dinv[col]
    return row, col, norm


def reference(x, edge_index, W1, b1, W2, b2, temp):
    # eval mode: dropout is identity
    h = jax.nn.relu(x @ W1.T + b1)
    h = h @ W2.T + b2
    row, col, norm = gcn_norm(edge_index, x.shape[0])
    hidden = h * temp[0]
    for k in range(K):
        msg = norm[:, None] * h[row]          # gather + scale (message)
        h = jnp.zeros_like(h).at[col].add(msg)  # scatter-add aggregation
        hidden = hidden + temp[k + 1] * h
    return jax.nn.log_softmax(hidden, axis=1)

if __name__ == "__main__":
    import jax
    _d = setup_inputs()
    print(jax.jit(kernel)(*tuple(_d.values())))

</pallas_src>

<mosaic_0001>
#map = affine_map<(d0, d1) -> (0, 0, 0)>
#map1 = affine_map<(d0, d1) -> (0, 0)>
module attributes {stable_mosaic.version = 14 : i64} {
  func.func @_k1_body(%arg0: i32, %arg1: i32, %arg2: memref<32x79x128xi32, #tpu.memory_space<hbm>>, %arg3: memref<2x10240xf32, #tpu.memory_space<hbm>>, %arg4: memref<10240xf32, #tpu.memory_space<vmem_shared>>, %arg5: memref<128xi32, #tpu.memory_space<vmem>>, %arg6: memref<128xf32, #tpu.memory_space<vmem>>, %arg7: memref<640xf32, #tpu.memory_space<vmem>>) attributes {dimension_semantics = [#tpu.dimension_semantics<core_parallel>, #tpu.dimension_semantics<subcore_parallel>], iteration_bounds = array<i64: 2, 16>, scalar_prefetch = 0 : i64, scratch_operands = 4 : i64, tpu.core_type = #tpu.core_type<sc_vector_subcore>, window_params = [{transform_indices = #map}, {transform_indices = #map1}]} {
    %mul3A = arith.constant 16 : i32
    %mul3A_0 = arith.muli %arg0, %mul3A : i32
    %add3A = arith.addi %mul3A_0, %arg1 : i32
    %mul3A_1 = arith.constant 640 : i32
    %mul3A_2 = arith.muli %arg1, %mul3A_1 : i32
    %broadcast_in_dim3A = arith.constant 0.000000e+00 : f32
    %broadcast_in_dim3A_3 = vector.broadcast %broadcast_in_dim3A : f32 to vector<16xf32>
    %broadcast_in_dim3A_4 = arith.constant 1.000000e+00 : f32
    %broadcast_in_dim3A_5 = vector.broadcast %broadcast_in_dim3A_4 : f32 to vector<16xf32>
    %scan3A = arith.constant 0 : i32
    %scan3A_6 = arith.constant 0 : i32
    %scan3A_7 = arith.constant 40 : i32
    %scan3A_8 = arith.addi %scan3A_6, %scan3A_7 : i32
    %scan3A_9 = arith.constant 1 : i32
    scf.for %scan3A_24 = %scan3A_6 to %scan3A_8 step %scan3A_9  : i32 {
      %mul3A_25 = arith.constant 16 : i32
      %mul3A_26 = arith.muli %scan3A_24, %mul3A_25 : i32
      %swap3A = arith.index_cast %mul3A_26 : i32 to index
      %swap3A_27 = tpu.vector_load %arg7[%swap3A] {strides = array<i32>} : memref<640xf32, #tpu.memory_space<vmem>>, vector<16xf32>,
      %swap3A_28 = vector.shape_cast %swap3A_27 : vector<16xf32> to vector<16xf32>
      %swap3A_29 = vector.shape_cast %broadcast_in_dim3A_3 : vector<16xf32> to vector<16xf32>
      tpu.vector_store %arg7[%swap3A], %swap3A_29 {strides = array<i32>} : memref<640xf32, #tpu.memory_space<vmem>>, vector<16xf32>,
    }
    %scan3A_10 = arith.constant 40 : i32
    %scan3A_11 = arith.constant 0 : i32
    %scan3A_12 = arith.constant 0 : i32
    %scan3A_13 = arith.constant 8 : i32
    %scan3A_14 = arith.addi %scan3A_12, %scan3A_13 : i32
    %scan3A_15 = arith.constant 1 : i32
    scf.for %scan3A_24 = %scan3A_12 to %scan3A_14 step %scan3A_15  : i32 {
      %mul3A_25 = arith.constant 16 : i32
      %mul3A_26 = arith.muli %scan3A_24, %mul3A_25 : i32
      %swap3A = arith.index_cast %mul3A_26 : i32 to index
      %swap3A_27 = tpu.vector_load %arg6[%swap3A] {strides = array<i32>} : memref<128xf32, #tpu.memory_space<vmem>>, vector<16xf32>,
      %swap3A_28 = vector.shape_cast %swap3A_27 : vector<16xf32> to vector<16xf32>
      %swap3A_29 = vector.shape_cast %broadcast_in_dim3A_5 : vector<16xf32> to vector<16xf32>
      tpu.vector_store %arg6[%swap3A], %swap3A_29 {strides = array<i32>} : memref<128xf32, #tpu.memory_space<vmem>>, vector<16xf32>,
    }
    %scan3A_16 = arith.constant 8 : i32
    "tpu.region"() ({
      %run_scoped3A = tpu.sem_alloc : memref<!tpu.dma_semaphore, #tpu.memory_space<semaphore_mem>>
      %dma_start3A = tpu.memref_slice %arg4[%mul3A_2] : memref<10240xf32, #tpu.memory_space<vmem_shared>> -> memref<640xf32, #tpu.memory_space<vmem_shared>>
      %dma_start3A_24 = tpu.memref_slice %arg4[%mul3A_2] : memref<10240xf32, #tpu.memory_space<vmem_shared>> -> memref<640xf32, #tpu.memory_space<vmem_shared>>
      tpu.enqueue_dma source(%arg7 : memref<640xf32, #tpu.memory_space<vmem>>) target(%dma_start3A_24 : memref<640xf32, #tpu.memory_space<vmem_shared>>) target_semaphore(%run_scoped3A : memref<!tpu.dma_semaphore, #tpu.memory_space<semaphore_mem>>)
      %dma_wait3A = tpu.memref_slice %arg4[%mul3A_2] : memref<10240xf32, #tpu.memory_space<vmem_shared>> -> memref<640xf32, #tpu.memory_space<vmem_shared>>
      %dma_wait3A_25 = tpu.memref_slice %arg4[%mul3A_2] : memref<10240xf32, #tpu.memory_space<vmem_shared>> -> memref<640xf32, #tpu.memory_space<vmem_shared>>
      tpu.wait_dma2 semaphore(%run_scoped3A : memref<!tpu.dma_semaphore, #tpu.memory_space<semaphore_mem>>) src(%arg7 : memref<640xf32, #tpu.memory_space<vmem>>) dst(%dma_wait3A_25 : memref<640xf32, #tpu.memory_space<vmem_shared>>)
      tpu.yield
    }) : () -> ()
    %barrier3A = arith.constant 0 : index
    tpu.barrier barrier_id(%barrier3A)
    %scan3A_17 = arith.constant 0 : i32
    %scan3A_18 = arith.constant 0 : i32
    %scan3A_19 = arith.constant 79 : i32
    %scan3A_20 = arith.addi %scan3A_18, %scan3A_19 : i32
    %scan3A_21 = arith.constant 1 : i32
    scf.for %scan3A_24 = %scan3A_18 to %scan3A_20 step %scan3A_21  : i32 {
      "tpu.region"() ({
        %run_scoped3A = tpu.sem_alloc : memref<!tpu.dma_semaphore, #tpu.memory_space<semaphore_mem>>
        %dma_start3A = arith.constant 0 : i32
        %dma_start3A_25 = tpu.memref_slice %arg2[%add3A, %scan3A_24, %dma_start3A] : memref<32x79x128xi32, #tpu.memory_space<hbm>> -> memref<1x1x128xi32, #tpu.memory_space<hbm>>
        %dma_start3A_26 = tpu.memref_squeeze %dma_start3A_25 : memref<1x1x128xi32, #tpu.memory_space<hbm>> -> memref<128xi32, #tpu.memory_space<hbm>>
        %dma_start3A_27 = arith.constant 0 : i32
        %dma_start3A_28 = tpu.memref_slice %arg2[%add3A, %scan3A_24, %dma_start3A_27] : memref<32x79x128xi32, #tpu.memory_space<hbm>> -> memref<1x1x128xi32, #tpu.memory_space<hbm>>
        %dma_start3A_29 = tpu.memref_squeeze %dma_start3A_28 : memref<1x1x128xi32, #tpu.memory_space<hbm>> -> memref<128xi32, #tpu.memory_space<hbm>>
        tpu.enqueue_dma source(%dma_start3A_29 : memref<128xi32, #tpu.memory_space<hbm>>) target(%arg5 : memref<128xi32, #tpu.memory_space<vmem>>) target_semaphore(%run_scoped3A : memref<!tpu.dma_semaphore, #tpu.memory_space<semaphore_mem>>)
        %dma_wait3A = arith.constant 0 : i32
        %dma_wait3A_30 = tpu.memref_slice %arg2[%add3A, %scan3A_24, %dma_wait3A] : memref<32x79x128xi32, #tpu.memory_space<hbm>> -> memref<1x1x128xi32, #tpu.memory_space<hbm>>
        %dma_wait3A_31 = tpu.memref_squeeze %dma_wait3A_30 : memref<1x1x128xi32, #tpu.memory_space<hbm>> -> memref<128xi32, #tpu.memory_space<hbm>>
        %dma_wait3A_32 = arith.constant 0 : i32
        %dma_wait3A_33 = tpu.memref_slice %arg2[%add3A, %scan3A_24, %dma_wait3A_32] : memref<32x79x128xi32, #tpu.memory_space<hbm>> -> memref<1x1x128xi32, #tpu.memory_space<hbm>>
        %dma_wait3A_34 = tpu.memref_squeeze %dma_wait3A_33 : memref<1x1x128xi32, #tpu.memory_space<hbm>> -> memref<128xi32, #tpu.memory_space<hbm>>
        tpu.wait_dma2 semaphore(%run_scoped3A : memref<!tpu.dma_semaphore, #tpu.memory_space<semaphore_mem>>) src(%dma_wait3A_34 : memref<128xi32, #tpu.memory_space<hbm>>) dst(%arg5 : memref<128xi32, #tpu.memory_space<vmem>>)
        tpu.yield
      }) : () -> ()
      "tpu.region"() ({
        %run_scoped3A = tpu.sem_alloc : memref<!tpu.dma_semaphore, #tpu.memory_space<semaphore_mem>>
        %dma_start3A = arith.constant 0 : i32
        %dma_start3A_25 = tpu.memref_slice %arg4[%dma_start3A] : memref<10240xf32, #tpu.memory_space<vmem_shared>> -> memref<10240xf32, #tpu.memory_space<vmem_shared>>
        tpu.enqueue_indirect_dma source(%arg6 : memref<128xf32, #tpu.memory_space<vmem>>) target(%dma_start3A_25 : memref<10240xf32, #tpu.memory_space<vmem_shared>>) offsets(%arg5 : memref<128xi32, #tpu.memory_space<vmem>>) semaphore(%run_scoped3A : memref<!tpu.dma_semaphore, #tpu.memory_space<semaphore_mem>>) {add = true}
        %dma_wait3A = arith.constant 0 : i32
        %dma_wait3A_26 = tpu.memref_slice %arg4[%dma_wait3A] : memref<10240xf32, #tpu.memory_space<vmem_shared>> -> memref<10240xf32, #tpu.memory_space<vmem_shared>>
        tpu.wait_indirect_dma semaphore(%run_scoped3A : memref<!tpu.dma_semaphore, #tpu.memory_space<semaphore_mem>>) src(%arg6 : memref<128xf32, #tpu.memory_space<vmem>>) dst(%dma_wait3A_26 : memref<10240xf32, #tpu.memory_space<vmem_shared>>)
        tpu.yield
      }) : () -> ()
    }
    %scan3A_22 = arith.constant 79 : i32
    %barrier3A_23 = arith.constant 0 : index
    tpu.barrier barrier_id(%barrier3A_23)
    "tpu.region"() ({
      %run_scoped3A = tpu.sem_alloc : memref<!tpu.dma_semaphore, #tpu.memory_space<semaphore_mem>>
      %dma_start3A = tpu.memref_slice %arg4[%mul3A_2] : memref<10240xf32, #tpu.memory_space<vmem_shared>> -> memref<640xf32, #tpu.memory_space<vmem_shared>>
      %dma_start3A_24 = tpu.memref_slice %arg4[%mul3A_2] : memref<10240xf32, #tpu.memory_space<vmem_shared>> -> memref<640xf32, #tpu.memory_space<vmem_shared>>
      tpu.enqueue_dma source(%dma_start3A_24 : memref<640xf32, #tpu.memory_space<vmem_shared>>) target(%arg7 : memref<640xf32, #tpu.memory_space<vmem>>) target_semaphore(%run_scoped3A : memref<!tpu.dma_semaphore, #tpu.memory_space<semaphore_mem>>)
      %dma_wait3A = tpu.memref_slice %arg4[%mul3A_2] : memref<10240xf32, #tpu.memory_space<vmem_shared>> -> memref<640xf32, #tpu.memory_space<vmem_shared>>
      %dma_wait3A_25 = tpu.memref_slice %arg4[%mul3A_2] : memref<10240xf32, #tpu.memory_space<vmem_shared>> -> memref<640xf32, #tpu.memory_space<vmem_shared>>
      tpu.wait_dma2 semaphore(%run_scoped3A : memref<!tpu.dma_semaphore, #tpu.memory_space<semaphore_mem>>) src(%dma_wait3A_25 : memref<640xf32, #tpu.memory_space<vmem_shared>>) dst(%arg7 : memref<640xf32, #tpu.memory_space<vmem>>)
      tpu.yield
    }) : () -> ()
    "tpu.region"() ({
      %run_scoped3A = tpu.sem_alloc : memref<!tpu.dma_semaphore, #tpu.memory_space<semaphore_mem>>
      %dma_start3A = tpu.memref_slice %arg3[%arg0, %mul3A_2] : memref<2x10240xf32, #tpu.memory_space<hbm>> -> memref<1x640xf32, #tpu.memory_space<hbm>>
      %dma_start3A_24 = tpu.memref_squeeze %dma_start3A : memref<1x640xf32, #tpu.memory_space<hbm>> -> memref<640xf32, #tpu.memory_space<hbm>>
      %dma_start3A_25 = tpu.memref_slice %arg3[%arg0, %mul3A_2] : memref<2x10240xf32, #tpu.memory_space<hbm>> -> memref<1x640xf32, #tpu.memory_space<hbm>>
      %dma_start3A_26 = tpu.memref_squeeze %dma_start3A_25 : memref<1x640xf32, #tpu.memory_space<hbm>> -> memref<640xf32, #tpu.memory_space<hbm>>
      tpu.enqueue_dma source(%arg7 : memref<640xf32, #tpu.memory_space<vmem>>) target(%dma_start3A_26 : memref<640xf32, #tpu.memory_space<hbm>>) target_semaphore(%run_scoped3A : memref<!tpu.dma_semaphore, #tpu.memory_space<semaphore_mem>>)
      %dma_wait3A = tpu.memref_slice %arg3[%arg0, %mul3A_2] : memref<2x10240xf32, #tpu.memory_space<hbm>> -> memref<1x640xf32, #tpu.memory_space<hbm>>
      %dma_wait3A_27 = tpu.memref_squeeze %dma_wait3A : memref<1x640xf32, #tpu.memory_space<hbm>> -> memref<640xf32, #tpu.memory_space<hbm>>
      %dma_wait3A_28 = tpu.memref_slice %arg3[%arg0, %mul3A_2] : memref<2x10240xf32, #tpu.memory_space<hbm>> -> memref<1x640xf32, #tpu.memory_space<hbm>>
      %dma_wait3A_29 = tpu.memref_squeeze %dma_wait3A_28 : memref<1x640xf32, #tpu.memory_space<hbm>> -> memref<640xf32, #tpu.memory_space<hbm>>
      tpu.wait_dma2 semaphore(%run_scoped3A : memref<!tpu.dma_semaphore, #tpu.memory_space<semaphore_mem>>) src(%arg7 : memref<640xf32, #tpu.memory_space<vmem>>) dst(%dma_wait3A_29 : memref<640xf32, #tpu.memory_space<hbm>>)
      tpu.yield
    }) : () -> ()
    return
  }
}

#map = affine_map<(d0, d1) -> (0, 0, 0)>
#map1 = affine_map<(d0, d1) -> (0, 0)>
module attributes {stable_mosaic.version = 14 : i64} {
  func.func @_k3_body(%arg0: i32, %arg1: i32, %arg2: memref<2x10240x32xf32, #tpu.memory_space<hbm>>, %arg3: memref<16x158x128xi32, #tpu.memory_space<hbm>>, %arg4: memref<16x158x128xi32, #tpu.memory_space<hbm>>, %arg5: memref<10240x32xf32, #tpu.memory_space<hbm>>, %arg6: memref<16x16xf32, #tpu.memory_space<hbm>>, %arg7: memref<2x10240x32xf32, #tpu.memory_space<hbm>>, %arg8: memref<10240x32xf32, #tpu.memory_space<vmem_shared>>, %arg9: memref<10240x32xf32, #tpu.memory_space<vmem_shared>>, %arg10: memref<128xi32, #tpu.memory_space<vmem>>, %arg11: memref<128xi32, #tpu.memory_space<vmem>>, %arg12: memref<128x32xf32, #tpu.memory_space<vmem>>, %arg13: memref<640x32xf32, #tpu.memory_space<vmem>>, %arg14: memref<640x32xf32, #tpu.memory_space<vmem>>, %arg15: memref<320x32xf32, #tpu.memory_space<vmem>>, %arg16: memref<320x32xf32, #tpu.memory_space<vmem>>, %arg17: memref<16x16xf32, #tpu.memory_space<vmem>>) attributes {dimension_semantics = [#tpu.dimension_semantics<core_parallel>, #tpu.dimension_semantics<subcore_parallel>], iteration_bounds = array<i64: 2, 16>, scalar_prefetch = 0 : i64, scratch_operands = 10 : i64, tpu.core_type = #tpu.core_type<sc_vector_subcore>, window_params = [{transform_indices = #map}, {transform_indices = #map}, {transform_indices = #map}, {transform_indices = #map1}, {transform_indices = #map1}, {transform_indices = #map}]} {
    %mul3A = arith.constant 640 : i32
    %mul3A_0 = arith.muli %arg1, %mul3A : i32
    %broadcast_in_dim3A = arith.constant 0.000000e+00 : f32
    %broadcast_in_dim3A_1 = vector.broadcast %broadcast_in_dim3A : f32 to vector<16xf32>
    "tpu.region"() ({
      %run_scoped3A = tpu.sem_alloc : memref<!tpu.dma_semaphore, #tpu.memory_space<semaphore_mem>>
      tpu.enqueue_dma source(%arg6 : memref<16x16xf32, #tpu.memory_space<hbm>>) target(%arg17 : memref<16x16xf32, #tpu.memory_space<vmem>>) target_semaphore(%run_scoped3A : memref<!tpu.dma_semaphore, #tpu.memory_space<semaphore_mem>>)
      tpu.wait_dma2 semaphore(%run_scoped3A : memref<!tpu.dma_semaphore, #tpu.memory_space<semaphore_mem>>) src(%arg6 : memref<16x16xf32, #tpu.memory_space<hbm>>) dst(%arg17 : memref<16x16xf32, #tpu.memory_space<vmem>>)
      tpu.yield
    }) : () -> ()
    "tpu.region"() ({
      %run_scoped3A = tpu.sem_alloc : memref<!tpu.dma_semaphore, #tpu.memory_space<semaphore_mem>>
      %dma_start3A = arith.constant 0 : i32
      %dma_start3A_26 = tpu.memref_slice %arg5[%mul3A_0, %dma_start3A] : memref<10240x32xf32, #tpu.memory_space<hbm>> -> memref<640x32xf32, #tpu.memory_space<hbm>>
      %dma_start3A_27 = arith.constant 0 : i32
      %dma_start3A_28 = tpu.memref_slice %arg5[%mul3A_0, %dma_start3A_27] : memref<10240x32xf32, #tpu.memory_space<hbm>> -> memref<640x32xf32, #tpu.memory_space<hbm>>
      tpu.enqueue_dma source(%dma_start3A_28 : memref<640x32xf32, #tpu.memory_space<hbm>>) target(%arg14 : memref<640x32xf32, #tpu.memory_space<vmem>>) target_semaphore(%run_scoped3A : memref<!tpu.dma_semaphore, #tpu.memory_space<semaphore_mem>>)
      %dma_wait3A = arith.constant 0 : i32
      %dma_wait3A_29 = tpu.memref_slice %arg5[%mul3A_0, %dma_wait3A] : memref<10240x32xf32, #tpu.memory_space<hbm>> -> memref<640x32xf32, #tpu.memory_space<hbm>>
      %dma_wait3A_30 = arith.constant 0 : i32
      %dma_wait3A_31 = tpu.memref_slice %arg5[%mul3A_0, %dma_wait3A_30] : memref<10240x32xf32, #tpu.memory_space<hbm>> -> memref<640x32xf32, #tpu.memory_space<hbm>>
      tpu.wait_dma2 semaphore(%run_scoped3A : memref<!tpu.dma_semaphore, #tpu.memory_space<semaphore_mem>>) src(%dma_wait3A_31 : memref<640x32xf32, #tpu.memory_space<hbm>>) dst(%arg14 : memref<640x32xf32, #tpu.memory_space<vmem>>)
      tpu.yield
    }) : () -> ()
    %get3A = arith.constant 0 : i32
    %get3A_2 = arith.index_cast %get3A : i32 to index
    %get3A_3 = arith.constant 0 : index
    %get3A_4 = tpu.vector_load %arg17[%get3A_2, %get3A_3] {strides = array<i32>} : memref<16x16xf32, #tpu.memory_space<vmem>>, vector<1x16xf32>,
    %get3A_5 = vector.shape_cast %get3A_4 : vector<1x16xf32> to vector<16xf32>
    %add3A = arith.constant 0 : i32
    %add3A_6 = arith.addi %mul3A_0, %add3A : i32
    "tpu.region"() ({
      %run_scoped3A = tpu.sem_alloc : memref<!tpu.dma_semaphore, #tpu.memory_space<semaphore_mem>>
      %dma_start3A = arith.constant 0 : i32
      %dma_start3A_26 = tpu.memref_slice %arg2[%arg0, %add3A_6, %dma_start3A] : memref<2x10240x32xf32, #tpu.memory_space<hbm>> -> memref<1x320x32xf32, #tpu.memory_space<hbm>>
      %dma_start3A_27 = tpu.memref_squeeze %dma_start3A_26 : memref<1x320x32xf32, #tpu.memory_space<hbm>> -> memref<320x32xf32, #tpu.memory_space<hbm>>
      %dma_start3A_28 = arith.constant 0 : i32
      %dma_start3A_29 = tpu.memref_slice %arg2[%arg0, %add3A_6, %dma_start3A_28] : memref<2x10240x32xf32, #tpu.memory_space<hbm>> -> memref<1x320x32xf32, #tpu.memory_space<hbm>>
      %dma_start3A_30 = tpu.memref_squeeze %dma_start3A_29 : memref<1x320x32xf32, #tpu.memory_space<hbm>> -> memref<320x32xf32, #tpu.memory_space<hbm>>
      tpu.enqueue_dma source(%dma_start3A_30 : memref<320x32xf32, #tpu.memory_space<hbm>>) target(%arg15 : memref<320x32xf32, #tpu.memory_space<vmem>>) target_semaphore(%run_scoped3A : memref<!tpu.dma_semaphore, #tpu.memory_space<semaphore_mem>>)
      %dma_wait3A = arith.constant 0 : i32
      %dma_wait3A_31 = tpu.memref_slice %arg2[%arg0, %add3A_6, %dma_wait3A] : memref<2x10240x32xf32, #tpu.memory_space<hbm>> -> memref<1x320x32xf32, #tpu.memory_space<hbm>>
      %dma_wait3A_32 = tpu.memref_squeeze %dma_wait3A_31 : memref<1x320x32xf32, #tpu.memory_space<hbm>> -> memref<320x32xf32, #tpu.memory_space<hbm>>
      %dma_wait3A_33 = arith.constant 0 : i32
      %dma_wait3A_34 = tpu.memref_slice %arg2[%arg0, %add3A_6, %dma_wait3A_33] : memref<2x10240x32xf32, #tpu.memory_space<hbm>> -> memref<1x320x32xf32, #tpu.memory_space<hbm>>
      %dma_wait3A_35 = tpu.memref_squeeze %dma_wait3A_34 : memref<1x320x32xf32, #tpu.memory_space<hbm>> -> memref<320x32xf32, #tpu.memory_space<hbm>>
      tpu.wait_dma2 semaphore(%run_scoped3A : memref<!tpu.dma_semaphore, #tpu.memory_space<semaphore_mem>>) src(%dma_wait3A_35 : memref<320x32xf32, #tpu.memory_space<hbm>>) dst(%arg15 : memref<320x32xf32, #tpu.memory_space<vmem>>)
      tpu.yield
    }) : () -> ()
    %scan3A = arith.constant 0 : i32
    %scan3A_7 = arith.constant 0 : i32
    %scan3A_8 = arith.constant 320 : i32
    %scan3A_9 = arith.addi %scan3A_7, %scan3A_8 : i32
    %scan3A_10 = arith.constant 1 : i32
    scf.for %scan3A_26 = %scan3A_7 to %scan3A_9 step %scan3A_10  : i32 {
      %get3A_27 = arith.index_cast %scan3A_26 : i32 to index
      %get3A_28 = arith.constant 0 : index
      %get3A_29 = tpu.vector_load %arg15[%get3A_27, %get3A_28] {strides = array<i32>} : memref<320x32xf32, #tpu.memory_space<vmem>>, vector<1x16xf32>,
      %get3A_30 = vector.shape_cast %get3A_29 : vector<1x16xf32> to vector<16xf32>
      %mul3A_31 = arith.mulf %get3A_5, %get3A_30 : vector<16xf32>
      %add3A_32 = arith.constant 0 : i32
      %add3A_33 = arith.addi %add3A_32, %scan3A_26 : i32
      %swap3A = arith.index_cast %add3A_33 : i32 to index
      %swap3A_34 = arith.constant 0 : index
      %swap3A_35 = tpu.vector_load %arg13[%swap3A, %swap3A_34] {strides = array<i32>} : memref<640x32xf32, #tpu.memory_space<vmem>>, vector<1x16xf32>,
      %swap3A_36 = vector.shape_cast %swap3A_35 : vector<1x16xf32> to vector<16xf32>
      %swap3A_37 = vector.shape_cast %mul3A_31 : vector<16xf32> to vector<1x16xf32>
      tpu.vector_store %arg13[%swap3A, %swap3A_34], %swap3A_37 {strides = array<i32>} : memref<640x32xf32, #tpu.memory_space<vmem>>, vector<1x16xf32>,
      %swap3A_38 = arith.index_cast %scan3A_26 : i32 to index
      %swap3A_39 = arith.constant 0 : index
      %swap3A_40 = tpu.vector_load %arg16[%swap3A_38, %swap3A_39] {strides = array<i32>} : memref<320x32xf32, #tpu.memory_space<vmem>>, vector<1x16xf32>,
      %swap3A_41 = vector.shape_cast %swap3A_40 : vector<1x16xf32> to vector<16xf32>
      %swap3A_42 = vector.shape_cast %broadcast_in_dim3A_1 : vector<16xf32> to vector<1x16xf32>
      tpu.vector_store %arg16[%swap3A_38, %swap3A_39], %swap3A_42 {strides = array<i32>} : memref<320x32xf32, #tpu.memory_space<vmem>>, vector<1x16xf32>,
      %get3A_43 = arith.index_cast %scan3A_26 : i32 to index
      %get3A_44 = arith.constant 16 : index
      %get3A_45 = tpu.vector_load %arg15[%get3A_43, %get3A_44] {strides = array<i32>} : memref<320x32xf32, #tpu.memory_space<vmem>>, vector<1x16xf32>,
      %get3A_46 = vector.shape_cast %get3A_45 : vector<1x16xf32> to vector<16xf32>
      %mul3A_47 = arith.mulf %get3A_5, %get3A_46 : vector<16xf32>
      %add3A_48 = arith.constant 0 : i32
      %add3A_49 = arith.addi %add3A_48, %scan3A_26 : i32
      %swap3A_50 = arith.index_cast %add3A_49 : i32 to index
      %swap3A_51 = arith.constant 16 : index
      %swap3A_52 = tpu.vector_load %arg13[%swap3A_50, %swap3A_51] {strides = array<i32>} : memref<640x32xf32, #tpu.memory_space<vmem>>, vector<1x16xf32>,
      %swap3A_53 = vector.shape_cast %swap3A_52 : vector<1x16xf32> to vector<16xf32>
      %swap3A_54 = vector.shape_cast %mul3A_47 : vector<16xf32> to vector<1x16xf32>
      tpu.vector_store %arg13[%swap3A_50, %swap3A_51], %swap3A_54 {strides = array<i32>} : memref<640x32xf32, #tpu.memory_space<vmem>>, vector<1x16xf32>,
      %swap3A_55 = arith.index_cast %scan3A_26 : i32 to index
      %swap3A_56 = arith.constant 16 : index
      %swap3A_57 = tpu.vector_load %arg16[%swap3A_55, %swap3A_56] {strides = array<i32>} : memref<320x32xf32, #tpu.memory_space<vmem>>, vector<1x16xf32>,
      %swap3A_58 = vector.shape_cast %swap3A_57 : vector<1x16xf32> to vector<16xf32>
      %swap3A_59 = vector.shape_cast %broadcast_in_dim3A_1 : vector<16xf32> to vector<1x16xf32>
      tpu.vector_store %arg16[%swap3A_55, %swap3A_56], %swap3A_59 {strides = array<i32>} : memref<320x32xf32, #tpu.memory_space<vmem>>, vector<1x16xf32>,
    }
    %scan3A_11 = arith.constant 320 : i32
    "tpu.region"() ({
      %run_scoped3A = tpu.sem_alloc : memref<!tpu.dma_semaphore, #tpu.memory_space<semaphore_mem>>
      %dma_start3A = arith.constant 0 : i32
      %dma_start3A_26 = tpu.memref_slice %arg8[%add3A_6, %dma_start3A] : memref<10240x32xf32, #tpu.memory_space<vmem_shared>> -> memref<320x32xf32, #tpu.memory_space<vmem_shared>>
      %dma_start3A_27 = arith.constant 0 : i32
      %dma_start3A_28 = tpu.memref_slice %arg8[%add3A_6, %dma_start3A_27] : memref<10240x32xf32, #tpu.memory_space<vmem_shared>> -> memref<320x32xf32, #tpu.memory_space<vmem_shared>>
      tpu.enqueue_dma source(%arg15 : memref<320x32xf32, #tpu.memory_space<vmem>>) target(%dma_start3A_28 : memref<320x32xf32, #tpu.memory_space<vmem_shared>>) target_semaphore(%run_scoped3A : memref<!tpu.dma_semaphore, #tpu.memory_space<semaphore_mem>>)
      %dma_wait3A = arith.constant 0 : i32
      %dma_wait3A_29 = tpu.memref_slice %arg8[%add3A_6, %dma_wait3A] : memref<10240x32xf32, #tpu.memory_space<vmem_shared>> -> memref<320x32xf32, #tpu.memory_space<vmem_shared>>
      %dma_wait3A_30 = arith.constant 0 : i32
      %dma_wait3A_31 = tpu.memref_slice %arg8[%add3A_6, %dma_wait3A_30] : memref<10240x32xf32, #tpu.memory_space<vmem_shared>> -> memref<320x32xf32, #tpu.memory_space<vmem_shared>>
      tpu.wait_dma2 semaphore(%run_scoped3A : memref<!tpu.dma_semaphore, #tpu.memory_space<semaphore_mem>>) src(%arg15 : memref<320x32xf32, #tpu.memory_space<vmem>>) dst(%dma_wait3A_31 : memref<320x32xf32, #tpu.memory_space<vmem_shared>>)
      tpu.yield
    }) : () -> ()
    "tpu.region"() ({
      %run_scoped3A = tpu.sem_alloc : memref<!tpu.dma_semaphore, #tpu.memory_space<semaphore_mem>>
      %dma_start3A = arith.constant 0 : i32
      %dma_start3A_26 = tpu.memref_slice %arg9[%add3A_6, %dma_start3A] : memref<10240x32xf32, #tpu.memory_space<vmem_shared>> -> memref<320x32xf32, #tpu.memory_space<vmem_shared>>
      %dma_start3A_27 = arith.constant 0 : i32
      %dma_start3A_28 = tpu.memref_slice %arg9[%add3A_6, %dma_start3A_27] : memref<10240x32xf32, #tpu.memory_space<vmem_shared>> -> memref<320x32xf32, #tpu.memory_space<vmem_shared>>
      tpu.enqueue_dma source(%arg16 : memref<320x32xf32, #tpu.memory_space<vmem>>) target(%dma_start3A_28 : memref<320x32xf32, #tpu.memory_space<vmem_shared>>) target_semaphore(%run_scoped3A : memref<!tpu.dma_semaphore, #tpu.memory_space<semaphore_mem>>)
      %dma_wait3A = arith.constant 0 : i32
      %dma_wait3A_29 = tpu.memref_slice %arg9[%add3A_6, %dma_wait3A] : memref<10240x32xf32, #tpu.memory_space<vmem_shared>> -> memref<320x32xf32, #tpu.memory_space<vmem_shared>>
      %dma_wait3A_30 = arith.constant 0 : i32
      %dma_wait3A_31 = tpu.memref_slice %arg9[%add3A_6, %dma_wait3A_30] : memref<10240x32xf32, #tpu.memory_space<vmem_shared>> -> memref<320x32xf32, #tpu.memory_space<vmem_shared>>
      tpu.wait_dma2 semaphore(%run_scoped3A : memref<!tpu.dma_semaphore, #tpu.memory_space<semaphore_mem>>) src(%arg16 : memref<320x32xf32, #tpu.memory_space<vmem>>) dst(%dma_wait3A_31 : memref<320x32xf32, #tpu.memory_space<vmem_shared>>)
      tpu.yield
    }) : () -> ()
    %add3A_12 = arith.constant 320 : i32
    %add3A_13 = arith.addi %mul3A_0, %add3A_12 : i32
    "tpu.region"() ({
      %run_scoped3A = tpu.sem_alloc : memref<!tpu.dma_semaphore, #tpu.memory_space<semaphore_mem>>
      %dma_start3A = arith.constant 0 : i32
      %dma_start3A_26 = tpu.memref_slice %arg2[%arg0, %add3A_13, %dma_start3A] : memref<2x10240x32xf32, #tpu.memory_space<hbm>> -> memref<1x320x32xf32, #tpu.memory_space<hbm>>
      %dma_start3A_27 = tpu.memref_squeeze %dma_start3A_26 : memref<1x320x32xf32, #tpu.memory_space<hbm>> -> memref<320x32xf32, #tpu.memory_space<hbm>>
      %dma_start3A_28 = arith.constant 0 : i32
      %dma_start3A_29 = tpu.memref_slice %arg2[%arg0, %add3A_13, %dma_start3A_28] : memref<2x10240x32xf32, #tpu.memory_space<hbm>> -> memref<1x320x32xf32, #tpu.memory_space<hbm>>
      %dma_start3A_30 = tpu.memref_squeeze %dma_start3A_29 : memref<1x320x32xf32, #tpu.memory_space<hbm>> -> memref<320x32xf32, #tpu.memory_space<hbm>>
      tpu.enqueue_dma source(%dma_start3A_30 : memref<320x32xf32, #tpu.memory_space<hbm>>) target(%arg15 : memref<320x32xf32, #tpu.memory_space<vmem>>) target_semaphore(%run_scoped3A : memref<!tpu.dma_semaphore, #tpu.memory_space<semaphore_mem>>)
      %dma_wait3A = arith.constant 0 : i32
      %dma_wait3A_31 = tpu.memref_slice %arg2[%arg0, %add3A_13, %dma_wait3A] : memref<2x10240x32xf32, #tpu.memory_space<hbm>> -> memref<1x320x32xf32, #tpu.memory_space<hbm>>
      %dma_wait3A_32 = tpu.memref_squeeze %dma_wait3A_31 : memref<1x320x32xf32, #tpu.memory_space<hbm>> -> memref<320x32xf32, #tpu.memory_space<hbm>>
      %dma_wait3A_33 = arith.constant 0 : i32
      %dma_wait3A_34 = tpu.memref_slice %arg2[%arg0, %add3A_13, %dma_wait3A_33] : memref<2x10240x32xf32, #tpu.memory_space<hbm>> -> memref<1x320x32xf32, #tpu.memory_space<hbm>>
      %dma_wait3A_35 = tpu.memref_squeeze %dma_wait3A_34 : memref<1x320x32xf32, #tpu.memory_space<hbm>> -> memref<320x32xf32, #tpu.memory_space<hbm>>
      tpu.wait_dma2 semaphore(%run_scoped3A : memref<!tpu.dma_semaphore, #tpu.memory_space<semaphore_mem>>) src(%dma_wait3A_35 : memref<320x32xf32, #tpu.memory_space<hbm>>) dst(%arg15 : memref<320x32xf32, #tpu.memory_space<vmem>>)
      tpu.yield
    }) : () -> ()
    %scan3A_14 = arith.constant 0 : i32
    %scan3A_15 = arith.constant 0 : i32
    %scan3A_16 = arith.constant 320 : i32
    %scan3A_17 = arith.addi %scan3A_15, %scan3A_16 : i32
    %scan3A_18 = arith.constant 1 : i32
    scf.for %scan3A_26 = %scan3A_15 to %scan3A_17 step %scan3A_18  : i32 {
      %get3A_27 = arith.index_cast %scan3A_26 : i32 to index
      %get3A_28 = arith.constant 0 : index
      %get3A_29 = tpu.vector_load %arg15[%get3A_27, %get3A_28] {strides = array<i32>} : memref<320x32xf32, #tpu.memory_space<vmem>>, vector<1x16xf32>,
      %get3A_30 = vector.shape_cast %get3A_29 : vector<1x16xf32> to vector<16xf32>
      %mul3A_31 = arith.mulf %get3A_5, %get3A_30 : vector<16xf32>
      %add3A_32 = arith.constant 320 : i32
      %add3A_33 = arith.addi %add3A_32, %scan3A_26 : i32
      %swap3A = arith.index_cast %add3A_33 : i32 to index
      %swap3A_34 = arith.constant 0 : index
      %swap3A_35 = tpu.vector_load %arg13[%swap3A, %swap3A_34] {strides = array<i32>} : memref<640x32xf32, #tpu.memory_space<vmem>>, vector<1x16xf32>,
      %swap3A_36 = vector.shape_cast %swap3A_35 : vector<1x16xf32> to vector<16xf32>
      %swap3A_37 = vector.shape_cast %mul3A_31 : vector<16xf32> to vector<1x16xf32>
      tpu.vector_store %arg13[%swap3A, %swap3A_34], %swap3A_37 {strides = array<i32>} : memref<640x32xf32, #tpu.memory_space<vmem>>, vector<1x16xf32>,
      %swap3A_38 = arith.index_cast %scan3A_26 : i32 to index
      %swap3A_39 = arith.constant 0 : index
      %swap3A_40 = tpu.vector_load %arg16[%swap3A_38, %swap3A_39] {strides = array<i32>} : memref<320x32xf32, #tpu.memory_space<vmem>>, vector<1x16xf32>,
      %swap3A_41 = vector.shape_cast %swap3A_40 : vector<1x16xf32> to vector<16xf32>
      %swap3A_42 = vector.shape_cast %broadcast_in_dim3A_1 : vector<16xf32> to vector<1x16xf32>
      tpu.vector_store %arg16[%swap3A_38, %swap3A_39], %swap3A_42 {strides = array<i32>} : memref<320x32xf32, #tpu.memory_space<vmem>>, vector<1x16xf32>,
      %get3A_43 = arith.index_cast %scan3A_26 : i32 to index
      %get3A_44 = arith.constant 16 : index
      %get3A_45 = tpu.vector_load %arg15[%get3A_43, %get3A_44] {strides = array<i32>} : memref<320x32xf32, #tpu.memory_space<vmem>>, vector<1x16xf32>,
      %get3A_46 = vector.shape_cast %get3A_45 : vector<1x16xf32> to vector<16xf32>
      %mul3A_47 = arith.mulf %get3A_5, %get3A_46 : vector<16xf32>
      %add3A_48 = arith.constant 320 : i32
      %add3A_49 = arith.addi %add3A_48, %scan3A_26 : i32
      %swap3A_50 = arith.index_cast %add3A_49 : i32 to index
      %swap3A_51 = arith.constant 16 : index
      %swap3A_52 = tpu.vector_load %arg13[%swap3A_50, %swap3A_51] {strides = array<i32>} : memref<640x32xf32, #tpu.memory_space<vmem>>, vector<1x16xf32>,
      %swap3A_53 = vector.shape_cast %swap3A_52 : vector<1x16xf32> to vector<16xf32>
      %swap3A_54 = vector.shape_cast %mul3A_47 : vector<16xf32> to vector<1x16xf32>
      tpu.vector_store %arg13[%swap3A_50, %swap3A_51], %swap3A_54 {strides = array<i32>} : memref<640x32xf32, #tpu.memory_space<vmem>>, vector<1x16xf32>,
      %swap3A_55 = arith.index_cast %scan3A_26 : i32 to index
      %swap3A_56 = arith.constant 16 : index
      %swap3A_57 = tpu.vector_load %arg16[%swap3A_55, %swap3A_56] {strides = array<i32>} : memref<320x32xf32, #tpu.memory_space<vmem>>, vector<1x16xf32>,
      %swap3A_58 = vector.shape_cast %swap3A_57 : vector<1x16xf32> to vector<16xf32>
      %swap3A_59 = vector.shape_cast %broadcast_in_dim3A_1 : vector<16xf32> to vector<1x16xf32>
      tpu.vector_store %arg16[%swap3A_55, %swap3A_56], %swap3A_59 {strides = array<i32>} : memref<320x32xf32, #tpu.memory_space<vmem>>, vector<1x16xf32>,
    }
    %scan3A_19 = arith.constant 320 : i32
    "tpu.region"() ({
      %run_scoped3A = tpu.sem_alloc : memref<!tpu.dma_semaphore, #tpu.memory_space<semaphore_mem>>
      %dma_start3A = arith.constant 0 : i32
      %dma_start3A_26 = tpu.memref_slice %arg8[%add3A_13, %dma_start3A] : memref<10240x32xf32, #tpu.memory_space<vmem_shared>> -> memref<320x32xf32, #tpu.memory_space<vmem_shared>>
      %dma_start3A_27 = arith.constant 0 : i32
      %dma_start3A_28 = tpu.memref_slice %arg8[%add3A_13, %dma_start3A_27] : memref<10240x32xf32, #tpu.memory_space<vmem_shared>> -> memref<320x32xf32, #tpu.memory_space<vmem_shared>>
      tpu.enqueue_dma source(%arg15 : memref<320x32xf32, #tpu.memory_space<vmem>>) target(%dma_start3A_28 : memref<320x32xf32, #tpu.memory_space<vmem_shared>>) target_semaphore(%run_scoped3A : memref<!tpu.dma_semaphore, #tpu.memory_space<semaphore_mem>>)
      %dma_wait3A = arith.constant 0 : i32
      %dma_wait3A_29 = tpu.memref_slice %arg8[%add3A_13, %dma_wait3A] : memref<10240x32xf32, #tpu.memory_space<vmem_shared>> -> memref<320x32xf32, #tpu.memory_space<vmem_shared>>
      %dma_wait3A_30 = arith.constant 0 : i32
      %dma_wait3A_31 = tpu.memref_slice %arg8[%add3A_13, %dma_wait3A_30] : memref<10240x32xf32, #tpu.memory_space<vmem_shared>> -> memref<320x32xf32, #tpu.memory_space<vmem_shared>>
      tpu.wait_dma2 semaphore(%run_scoped3A : memref<!tpu.dma_semaphore, #tpu.memory_space<semaphore_mem>>) src(%arg15 : memref<320x32xf32, #tpu.memory_space<vmem>>) dst(%dma_wait3A_31 : memref<320x32xf32, #tpu.memory_space<vmem_shared>>)
      tpu.yield
    }) : () -> ()
    "tpu.region"() ({
      %run_scoped3A = tpu.sem_alloc : memref<!tpu.dma_semaphore, #tpu.memory_space<semaphore_mem>>
      %dma_start3A = arith.constant 0 : i32
      %dma_start3A_26 = tpu.memref_slice %arg9[%add3A_13, %dma_start3A] : memref<10240x32xf32, #tpu.memory_space<vmem_shared>> -> memref<320x32xf32, #tpu.memory_space<vmem_shared>>
      %dma_start3A_27 = arith.constant 0 : i32
      %dma_start3A_28 = tpu.memref_slice %arg9[%add3A_13, %dma_start3A_27] : memref<10240x32xf32, #tpu.memory_space<vmem_shared>> -> memref<320x32xf32, #tpu.memory_space<vmem_shared>>
      tpu.enqueue_dma source(%arg16 : memref<320x32xf32, #tpu.memory_space<vmem>>) target(%dma_start3A_28 : memref<320x32xf32, #tpu.memory_space<vmem_shared>>) target_semaphore(%run_scoped3A : memref<!tpu.dma_semaphore, #tpu.memory_space<semaphore_mem>>)
      %dma_wait3A = arith.constant 0 : i32
      %dma_wait3A_29 = tpu.memref_slice %arg9[%add3A_13, %dma_wait3A] : memref<10240x32xf32, #tpu.memory_space<vmem_shared>> -> memref<320x32xf32, #tpu.memory_space<vmem_shared>>
      %dma_wait3A_30 = arith.constant 0 : i32
      %dma_wait3A_31 = tpu.memref_slice %arg9[%add3A_13, %dma_wait3A_30] : memref<10240x32xf32, #tpu.memory_space<vmem_shared>> -> memref<320x32xf32, #tpu.memory_space<vmem_shared>>
      tpu.wait_dma2 semaphore(%run_scoped3A : memref<!tpu.dma_semaphore, #tpu.memory_space<semaphore_mem>>) src(%arg16 : memref<320x32xf32, #tpu.memory_space<vmem>>) dst(%dma_wait3A_31 : memref<320x32xf32, #tpu.memory_space<vmem_shared>>)
      tpu.yield
    }) : () -> ()
    %barrier3A = arith.constant 0 : index
    tpu.barrier barrier_id(%barrier3A)
    %scan3A_20 = arith.constant 0 : i32
    %scan3A_21 = arith.constant 1 : i32
    %scan3A_22 = arith.constant 10 : i32
    %scan3A_23 = arith.addi %scan3A_21, %scan3A_22 : i32
    %scan3A_24 = arith.constant 1 : i32
    scf.for %scan3A_26 = %scan3A_21 to %scan3A_23 step %scan3A_24  : i32 {
      %scan3A_27 = arith.constant 0 : i32
      %scan3A_28 = arith.constant 0 : i32
      %scan3A_29 = arith.constant 158 : i32
      %scan3A_30 = arith.addi %scan3A_28, %scan3A_29 : i32
      %scan3A_31 = arith.constant 1 : i32
      scf.for %scan3A_55 = %scan3A_28 to %scan3A_30 step %scan3A_31  : i32 {
        "tpu.region"() ({
          %run_scoped3A = tpu.sem_alloc : memref<!tpu.dma_semaphore, #tpu.memory_space<semaphore_mem>>
          %dma_start3A = arith.constant 0 : i32
          %dma_start3A_56 = tpu.memref_slice %arg3[%arg1, %scan3A_55, %dma_start3A] : memref<16x158x128xi32, #tpu.memory_space<hbm>> -> memref<1x1x128xi32, #tpu.memory_space<hbm>>
          %dma_start3A_57 = tpu.memref_squeeze %dma_start3A_56 : memref<1x1x128xi32, #tpu.memory_space<hbm>> -> memref<128xi32, #tpu.memory_space<hbm>>
          %dma_start3A_58 = arith.constant 0 : i32
          %dma_start3A_59 = tpu.memref_slice %arg3[%arg1, %scan3A_55, %dma_start3A_58] : memref<16x158x128xi32, #tpu.memory_space<hbm>> -> memref<1x1x128xi32, #tpu.memory_space<hbm>>
          %dma_start3A_60 = tpu.memref_squeeze %dma_start3A_59 : memref<1x1x128xi32, #tpu.memory_space<hbm>> -> memref<128xi32, #tpu.memory_space<hbm>>
          tpu.enqueue_dma source(%dma_start3A_60 : memref<128xi32, #tpu.memory_space<hbm>>) target(%arg10 : memref<128xi32, #tpu.memory_space<vmem>>) target_semaphore(%run_scoped3A : memref<!tpu.dma_semaphore, #tpu.memory_space<semaphore_mem>>)
          %dma_wait3A = arith.constant 0 : i32
          %dma_wait3A_61 = tpu.memref_slice %arg3[%arg1, %scan3A_55, %dma_wait3A] : memref<16x158x128xi32, #tpu.memory_space<hbm>> -> memref<1x1x128xi32, #tpu.memory_space<hbm>>
          %dma_wait3A_62 = tpu.memref_squeeze %dma_wait3A_61 : memref<1x1x128xi32, #tpu.memory_space<hbm>> -> memref<128xi32, #tpu.memory_space<hbm>>
          %dma_wait3A_63 = arith.constant 0 : i32
          %dma_wait3A_64 = tpu.memref_slice %arg3[%arg1, %scan3A_55, %dma_wait3A_63] : memref<16x158x128xi32, #tpu.memory_space<hbm>> -> memref<1x1x128xi32, #tpu.memory_space<hbm>>
          %dma_wait3A_65 = tpu.memref_squeeze %dma_wait3A_64 : memref<1x1x128xi32, #tpu.memory_space<hbm>> -> memref<128xi32, #tpu.memory_space<hbm>>
          tpu.wait_dma2 semaphore(%run_scoped3A : memref<!tpu.dma_semaphore, #tpu.memory_space<semaphore_mem>>) src(%dma_wait3A_65 : memref<128xi32, #tpu.memory_space<hbm>>) dst(%arg10 : memref<128xi32, #tpu.memory_space<vmem>>)
          tpu.yield
        }) : () -> ()
        "tpu.region"() ({
          %run_scoped3A = tpu.sem_alloc : memref<!tpu.dma_semaphore, #tpu.memory_space<semaphore_mem>>
          %dma_start3A = arith.constant 0 : i32
          %dma_start3A_56 = tpu.memref_slice %arg4[%arg1, %scan3A_55, %dma_start3A] : memref<16x158x128xi32, #tpu.memory_space<hbm>> -> memref<1x1x128xi32, #tpu.memory_space<hbm>>
          %dma_start3A_57 = tpu.memref_squeeze %dma_start3A_56 : memref<1x1x128xi32, #tpu.memory_space<hbm>> -> memref<128xi32, #tpu.memory_space<hbm>>
          %dma_start3A_58 = arith.constant 0 : i32
          %dma_start3A_59 = tpu.memref_slice %arg4[%arg1, %scan3A_55, %dma_start3A_58] : memref<16x158x128xi32, #tpu.memory_space<hbm>> -> memref<1x1x128xi32, #tpu.memory_space<hbm>>
          %dma_start3A_60 = tpu.memref_squeeze %dma_start3A_59 : memref<1x1x128xi32, #tpu.memory_space<hbm>> -> memref<128xi32, #tpu.memory_space<hbm>>
          tpu.enqueue_dma source(%dma_start3A_60 : memref<128xi32, #tpu.memory_space<hbm>>) target(%arg11 : memref<128xi32, #tpu.memory_space<vmem>>) target_semaphore(%run_scoped3A : memref<!tpu.dma_semaphore, #tpu.memory_space<semaphore_mem>>)
          %dma_wait3A = arith.constant 0 : i32
          %dma_wait3A_61 = tpu.memref_slice %arg4[%arg1, %scan3A_55, %dma_wait3A] : memref<16x158x128xi32, #tpu.memory_space<hbm>> -> memref<1x1x128xi32, #tpu.memory_space<hbm>>
          %dma_wait3A_62 = tpu.memref_squeeze %dma_wait3A_61 : memref<1x1x128xi32, #tpu.memory_space<hbm>> -> memref<128xi32, #tpu.memory_space<hbm>>
          %dma_wait3A_63 = arith.constant 0 : i32
          %dma_wait3A_64 = tpu.memref_slice %arg4[%arg1, %scan3A_55, %dma_wait3A_63] : memref<16x158x128xi32, #tpu.memory_space<hbm>> -> memref<1x1x128xi32, #tpu.memory_space<hbm>>
          %dma_wait3A_65 = tpu.memref_squeeze %dma_wait3A_64 : memref<1x1x128xi32, #tpu.memory_space<hbm>> -> memref<128xi32, #tpu.memory_space<hbm>>
          tpu.wait_dma2 semaphore(%run_scoped3A : memref<!tpu.dma_semaphore, #tpu.memory_space<semaphore_mem>>) src(%dma_wait3A_65 : memref<128xi32, #tpu.memory_space<hbm>>) dst(%arg11 : memref<128xi32, #tpu.memory_space<vmem>>)
          tpu.yield
        }) : () -> ()
        "tpu.region"() ({
          %run_scoped3A = tpu.sem_alloc : memref<!tpu.dma_semaphore, #tpu.memory_space<semaphore_mem>>
          %dma_start3A = arith.constant 0 : i32
          %dma_start3A_56 = arith.constant 0 : i32
          %dma_start3A_57 = tpu.memref_slice %arg8[%dma_start3A, %dma_start3A_56] : memref<10240x32xf32, #tpu.memory_space<vmem_shared>> -> memref<10240x32xf32, #tpu.memory_space<vmem_shared>>
          tpu.enqueue_indirect_dma source(%dma_start3A_57 : memref<10240x32xf32, #tpu.memory_space<vmem_shared>>) target(%arg12 : memref<128x32xf32, #tpu.memory_space<vmem>>) offsets(%arg10 : memref<128xi32, #tpu.memory_space<vmem>>) semaphore(%run_scoped3A : memref<!tpu.dma_semaphore, #tpu.memory_space<semaphore_mem>>)
          %dma_wait3A = arith.constant 0 : i32
          %dma_wait3A_58 = arith.constant 0 : i32
          %dma_wait3A_59 = tpu.memref_slice %arg8[%dma_wait3A, %dma_wait3A_58] : memref<10240x32xf32, #tpu.memory_space<vmem_shared>> -> memref<10240x32xf32, #tpu.memory_space<vmem_shared>>
          tpu.wait_indirect_dma semaphore(%run_scoped3A : memref<!tpu.dma_semaphore, #tpu.memory_space<semaphore_mem>>) src(%dma_wait3A_59 : memref<10240x32xf32, #tpu.memory_space<vmem_shared>>) dst(%arg12 : memref<128x32xf32, #tpu.memory_space<vmem>>)
          tpu.yield
        }) : () -> ()
        "tpu.region"() ({
          %run_scoped3A = tpu.sem_alloc : memref<!tpu.dma_semaphore, #tpu.memory_space<semaphore_mem>>
          %dma_start3A = arith.constant 0 : i32
          %dma_start3A_56 = arith.constant 0 : i32
          %dma_start3A_57 = tpu.memref_slice %arg9[%dma_start3A, %dma_start3A_56] : memref<10240x32xf32, #tpu.memory_space<vmem_shared>> -> memref<10240x32xf32, #tpu.memory_space<vmem_shared>>
          tpu.enqueue_indirect_dma source(%arg12 : memref<128x32xf32, #tpu.memory_space<vmem>>) target(%dma_start3A_57 : memref<10240x32xf32, #tpu.memory_space<vmem_shared>>) offsets(%arg11 : memref<128xi32, #tpu.memory_space<vmem>>) semaphore(%run_scoped3A : memref<!tpu.dma_semaphore, #tpu.memory_space<semaphore_mem>>) {add = true}
          %dma_wait3A = arith.constant 0 : i32
          %dma_wait3A_58 = arith.constant 0 : i32
          %dma_wait3A_59 = tpu.memref_slice %arg9[%dma_wait3A, %dma_wait3A_58] : memref<10240x32xf32, #tpu.memory_space<vmem_shared>> -> memref<10240x32xf32, #tpu.memory_space<vmem_shared>>
          tpu.wait_indirect_dma semaphore(%run_scoped3A : memref<!tpu.dma_semaphore, #tpu.memory_space<semaphore_mem>>) src(%arg12 : memref<128x32xf32, #tpu.memory_space<vmem>>) dst(%dma_wait3A_59 : memref<10240x32xf32, #tpu.memory_space<vmem_shared>>)
          tpu.yield
        }) : () -> ()
      }
      %scan3A_32 = arith.constant 158 : i32
      %barrier3A_33 = arith.constant 0 : index
      tpu.barrier barrier_id(%barrier3A_33)
      %get3A_34 = arith.index_cast %scan3A_26 : i32 to index
      %get3A_35 = arith.constant 0 : index
      %get3A_36 = tpu.vector_load %arg17[%get3A_34, %get3A_35] {strides = array<i32>} : memref<16x16xf32, #tpu.memory_space<vmem>>, vector<1x16xf32>,
      %get3A_37 = vector.shape_cast %get3A_36 : vector<1x16xf32> to vector<16xf32>
      %add3A_38 = arith.constant 0 : i32
      %add3A_39 = arith.addi %mul3A_0, %add3A_38 : i32
      "tpu.region"() ({
        %run_scoped3A = tpu.sem_alloc : memref<!tpu.dma_semaphore, #tpu.memory_space<semaphore_mem>>
        %dma_start3A = arith.constant 0 : i32
        %dma_start3A_55 = tpu.memref_slice %arg9[%add3A_39, %dma_start3A] : memref<10240x32xf32, #tpu.memory_space<vmem_shared>> -> memref<320x32xf32, #tpu.memory_space<vmem_shared>>
        %dma_start3A_56 = arith.constant 0 : i32
        %dma_start3A_57 = tpu.memref_slice %arg9[%add3A_39, %dma_start3A_56] : memref<10240x32xf32, #tpu.memory_space<vmem_shared>> -> memref<320x32xf32, #tpu.memory_space<vmem_shared>>
        tpu.enqueue_dma source(%dma_start3A_57 : memref<320x32xf32, #tpu.memory_space<vmem_shared>>) target(%arg15 : memref<320x32xf32, #tpu.memory_space<vmem>>) target_semaphore(%run_scoped3A : memref<!tpu.dma_semaphore, #tpu.memory_space<semaphore_mem>>)
        %dma_wait3A = arith.constant 0 : i32
        %dma_wait3A_58 = tpu.memref_slice %arg9[%add3A_39, %dma_wait3A] : memref<10240x32xf32, #tpu.memory_space<vmem_shared>> -> memref<320x32xf32, #tpu.memory_space<vmem_shared>>
        %dma_wait3A_59 = arith.constant 0 : i32
        %dma_wait3A_60 = tpu.memref_slice %arg9[%add3A_39, %dma_wait3A_59] : memref<10240x32xf32, #tpu.memory_space<vmem_shared>> -> memref<320x32xf32, #tpu.memory_space<vmem_shared>>
        tpu.wait_dma2 semaphore(%run_scoped3A : memref<!tpu.dma_semaphore, #tpu.memory_space<semaphore_mem>>) src(%dma_wait3A_60 : memref<320x32xf32, #tpu.memory_space<vmem_shared>>) dst(%arg15 : memref<320x32xf32, #tpu.memory_space<vmem>>)
        tpu.yield
      }) : () -> ()
      "tpu.region"() ({
        %run_scoped3A = tpu.sem_alloc : memref<!tpu.dma_semaphore, #tpu.memory_space<semaphore_mem>>
        %dma_start3A = arith.constant 0 : i32
        %dma_start3A_55 = tpu.memref_slice %arg8[%add3A_39, %dma_start3A] : memref<10240x32xf32, #tpu.memory_space<vmem_shared>> -> memref<320x32xf32, #tpu.memory_space<vmem_shared>>
        %dma_start3A_56 = arith.constant 0 : i32
        %dma_start3A_57 = tpu.memref_slice %arg8[%add3A_39, %dma_start3A_56] : memref<10240x32xf32, #tpu.memory_space<vmem_shared>> -> memref<320x32xf32, #tpu.memory_space<vmem_shared>>
        tpu.enqueue_dma source(%dma_start3A_57 : memref<320x32xf32, #tpu.memory_space<vmem_shared>>) target(%arg16 : memref<320x32xf32, #tpu.memory_space<vmem>>) target_semaphore(%run_scoped3A : memref<!tpu.dma_semaphore, #tpu.memory_space<semaphore_mem>>)
        %dma_wait3A = arith.constant 0 : i32
        %dma_wait3A_58 = tpu.memref_slice %arg8[%add3A_39, %dma_wait3A] : memref<10240x32xf32, #tpu.memory_space<vmem_shared>> -> memref<320x32xf32, #tpu.memory_space<vmem_shared>>
        %dma_wait3A_59 = arith.constant 0 : i32
        %dma_wait3A_60 = tpu.memref_slice %arg8[%add3A_39, %dma_wait3A_59] : memref<10240x32xf32, #tpu.memory_space<vmem_shared>> -> memref<320x32xf32, #tpu.memory_space<vmem_shared>>
        tpu.wait_dma2 semaphore(%run_scoped3A : memref<!tpu.dma_semaphore, #tpu.memory_space<semaphore_mem>>) src(%dma_wait3A_60 : memref<320x32xf32, #tpu.memory_space<vmem_shared>>) dst(%arg16 : memref<320x32xf32, #tpu.memory_space<vmem>>)
        tpu.yield
      }) : () -> ()
      %scan3A_40 = arith.constant 0 : i32
      %scan3A_41 = arith.constant 0 : i32
      %scan3A_42 = arith.constant 320 : i32
      %scan3A_43 = arith.addi %scan3A_41, %scan3A_42 : i32
      %scan3A_44 = arith.constant 1 : i32
      scf.for %scan3A_55 = %scan3A_41 to %scan3A_43 step %scan3A_44  : i32 {
        %get3A_56 = arith.index_cast %scan3A_55 : i32 to index
        %get3A_57 = arith.constant 0 : index
        %get3A_58 = tpu.vector_load %arg15[%get3A_56, %get3A_57] {strides = array<i32>} : memref<320x32xf32, #tpu.memory_space<vmem>>, vector<1x16xf32>,
        %get3A_59 = vector.shape_cast %get3A_58 : vector<1x16xf32> to vector<16xf32>
        %get3A_60 = arith.index_cast %scan3A_55 : i32 to index
        %get3A_61 = arith.constant 0 : index
        %get3A_62 = tpu.vector_load %arg16[%get3A_60, %get3A_61] {strides = array<i32>} : memref<320x32xf32, #tpu.memory_space<vmem>>, vector<1x16xf32>,
        %get3A_63 = vector.shape_cast %get3A_62 : vector<1x16xf32> to vector<16xf32>
        %add3A_64 = arith.addf %get3A_59, %get3A_63 : vector<16xf32>
        %add3A_65 = arith.constant 0 : i32
        %add3A_66 = arith.addi %add3A_65, %scan3A_55 : i32
        %get3A_67 = arith.index_cast %add3A_66 : i32 to index
        %get3A_68 = arith.constant 0 : index
        %get3A_69 = tpu.vector_load %arg14[%get3A_67, %get3A_68] {strides = array<i32>} : memref<640x32xf32, #tpu.memory_space<vmem>>, vector<1x16xf32>,
        %get3A_70 = vector.shape_cast %get3A_69 : vector<1x16xf32> to vector<16xf32>
        %mul3A_71 = arith.mulf %add3A_64, %get3A_70 : vector<16xf32>
        %swap3A = arith.index_cast %scan3A_55 : i32 to index
        %swap3A_72 = arith.constant 0 : index
        %swap3A_73 = tpu.vector_load %arg16[%swap3A, %swap3A_72] {strides = array<i32>} : memref<320x32xf32, #tpu.memory_space<vmem>>, vector<1x16xf32>,
        %swap3A_74 = vector.shape_cast %swap3A_73 : vector<1x16xf32> to vector<16xf32>
        %swap3A_75 = vector.shape_cast %mul3A_71 : vector<16xf32> to vector<1x16xf32>
        tpu.vector_store %arg16[%swap3A, %swap3A_72], %swap3A_75 {strides = array<i32>} : memref<320x32xf32, #tpu.memory_space<vmem>>, vector<1x16xf32>,
        %swap3A_76 = arith.index_cast %scan3A_55 : i32 to index
        %swap3A_77 = arith.constant 0 : index
        %swap3A_78 = tpu.vector_load %arg15[%swap3A_76, %swap3A_77] {strides = array<i32>} : memref<320x32xf32, #tpu.memory_space<vmem>>, vector<1x16xf32>,
        %swap3A_79 = vector.shape_cast %swap3A_78 : vector<1x16xf32> to vector<16xf32>
        %swap3A_80 = vector.shape_cast %broadcast_in_dim3A_1 : vector<16xf32> to vector<1x16xf32>
        tpu.vector_store %arg15[%swap3A_76, %swap3A_77], %swap3A_80 {strides = array<i32>} : memref<320x32xf32, #tpu.memory_space<vmem>>, vector<1x16xf32>,
        %add3A_81 = arith.constant 0 : i32
        %add3A_82 = arith.addi %add3A_81, %scan3A_55 : i32
        %get3A_83 = arith.index_cast %add3A_82 : i32 to index
        %get3A_84 = arith.constant 0 : index
        %get3A_85 = tpu.vector_load %arg13[%get3A_83, %get3A_84] {strides = array<i32>} : memref<640x32xf32, #tpu.memory_space<vmem>>, vector<1x16xf32>,
        %get3A_86 = vector.shape_cast %get3A_85 : vector<1x16xf32> to vector<16xf32>
        %mul3A_87 = arith.mulf %get3A_37, %mul3A_71 : vector<16xf32>
        %add3A_88 = arith.addf %get3A_86, %mul3A_87 : vector<16xf32>
        %add3A_89 = arith.constant 0 : i32
        %add3A_90 = arith.addi %add3A_89, %scan3A_55 : i32
        %swap3A_91 = arith.index_cast %add3A_90 : i32 to index
        %swap3A_92 = arith.constant 0 : index
        %swap3A_93 = tpu.vector_load %arg13[%swap3A_91, %swap3A_92] {strides = array<i32>} : memref<640x32xf32, #tpu.memory_space<vmem>>, vector<1x16xf32>,
        %swap3A_94 = vector.shape_cast %swap3A_93 : vector<1x16xf32> to vector<16xf32>
        %swap3A_95 = vector.shape_cast %add3A_88 : vector<16xf32> to vector<1x16xf32>
        tpu.vector_store %arg13[%swap3A_91, %swap3A_92], %swap3A_95 {strides = array<i32>} : memref<640x32xf32, #tpu.memory_space<vmem>>, vector<1x16xf32>,
        %get3A_96 = arith.index_cast %scan3A_55 : i32 to index
        %get3A_97 = arith.constant 16 : index
        %get3A_98 = tpu.vector_load %arg15[%get3A_96, %get3A_97] {strides = array<i32>} : memref<320x32xf32, #tpu.memory_space<vmem>>, vector<1x16xf32>,
        %get3A_99 = vector.shape_cast %get3A_98 : vector<1x16xf32> to vector<16xf32>
        %get3A_100 = arith.index_cast %scan3A_55 : i32 to index
        %get3A_101 = arith.constant 16 : index
        %get3A_102 = tpu.vector_load %arg16[%get3A_100, %get3A_101] {strides = array<i32>} : memref<320x32xf32, #tpu.memory_space<vmem>>, vector<1x16xf32>,
        %get3A_103 = vector.shape_cast %get3A_102 : vector<1x16xf32> to vector<16xf32>
        %add3A_104 = arith.addf %get3A_99, %get3A_103 : vector<16xf32>
        %add3A_105 = arith.constant 0 : i32
        %add3A_106 = arith.addi %add3A_105, %scan3A_55 : i32
        %get3A_107 = arith.index_cast %add3A_106 : i32 to index
        %get3A_108 = arith.constant 16 : index
        %get3A_109 = tpu.vector_load %arg14[%get3A_107, %get3A_108] {strides = array<i32>} : memref<640x32xf32, #tpu.memory_space<vmem>>, vector<1x16xf32>,
        %get3A_110 = vector.shape_cast %get3A_109 : vector<1x16xf32> to vector<16xf32>
        %mul3A_111 = arith.mulf %add3A_104, %get3A_110 : vector<16xf32>
        %swap3A_112 = arith.index_cast %scan3A_55 : i32 to index
        %swap3A_113 = arith.constant 16 : index
        %swap3A_114 = tpu.vector_load %arg16[%swap3A_112, %swap3A_113] {strides = array<i32>} : memref<320x32xf32, #tpu.memory_space<vmem>>, vector<1x16xf32>,
        %swap3A_115 = vector.shape_cast %swap3A_114 : vector<1x16xf32> to vector<16xf32>
        %swap3A_116 = vector.shape_cast %mul3A_111 : vector<16xf32> to vector<1x16xf32>
        tpu.vector_store %arg16[%swap3A_112, %swap3A_113], %swap3A_116 {strides = array<i32>} : memref<320x32xf32, #tpu.memory_space<vmem>>, vector<1x16xf32>,
        %swap3A_117 = arith.index_cast %scan3A_55 : i32 to index
        %swap3A_118 = arith.constant 16 : index
        %swap3A_119 = tpu.vector_load %arg15[%swap3A_117, %swap3A_118] {strides = array<i32>} : memref<320x32xf32, #tpu.memory_space<vmem>>, vector<1x16xf32>,
        %swap3A_120 = vector.shape_cast %swap3A_119 : vector<1x16xf32> to vector<16xf32>
        %swap3A_121 = vector.shape_cast %broadcast_in_dim3A_1 : vector<16xf32> to vector<1x16xf32>
        tpu.vector_store %arg15[%swap3A_117, %swap3A_118], %swap3A_121 {strides = array<i32>} : memref<320x32xf32, #tpu.memory_space<vmem>>, vector<1x16xf32>,
        %add3A_122 = arith.constant 0 : i32
        %add3A_123 = arith.addi %add3A_122, %scan3A_55 : i32
        %get3A_124 = arith.index_cast %add3A_123 : i32 to index
        %get3A_125 = arith.constant 16 : index
        %get3A_126 = tpu.vector_load %arg13[%get3A_124, %get3A_125] {strides = array<i32>} : memref<640x32xf32, #tpu.memory_space<vmem>>, vector<1x16xf32>,
        %get3A_127 = vector.shape_cast %get3A_126 : vector<1x16xf32> to vector<16xf32>
        %mul3A_128 = arith.mulf %get3A_37, %mul3A_111 : vector<16xf32>
        %add3A_129 = arith.addf %get3A_127, %mul3A_128 : vector<16xf32>
        %add3A_130 = arith.constant 0 : i32
        %add3A_131 = arith.addi %add3A_130, %scan3A_55 : i32
        %swap3A_132 = arith.index_cast %add3A_131 : i32 to index
        %swap3A_133 = arith.constant 16 : index
        %swap3A_134 = tpu.vector_load %arg13[%swap3A_132, %swap3A_133] {strides = array<i32>} : memref<640x32xf32, #tpu.memory_space<vmem>>, vector<1x16xf32>,
        %swap3A_135 = vector.shape_cast %swap3A_134 : vector<1x16xf32> to vector<16xf32>
        %swap3A_136 = vector.shape_cast %add3A_129 : vector<16xf32> to vector<1x16xf32>
        tpu.vector_store %arg13[%swap3A_132, %swap3A_133], %swap3A_136 {strides = array<i32>} : memref<640x32xf32, #tpu.memory_space<vmem>>, vector<1x16xf32>,
      }
      %scan3A_45 = arith.constant 320 : i32
      "tpu.region"() ({
        %run_scoped3A = tpu.sem_alloc : memref<!tpu.dma_semaphore, #tpu.memory_space<semaphore_mem>>
        %dma_start3A = arith.constant 0 : i32
        %dma_start3A_55 = tpu.memref_slice %arg8[%add3A_39, %dma_start3A] : memref<10240x32xf32, #tpu.memory_space<vmem_shared>> -> memref<320x32xf32, #tpu.memory_space<vmem_shared>>
        %dma_start3A_56 = arith.constant 0 : i32
        %dma_start3A_57 = tpu.memref_slice %arg8[%add3A_39, %dma_start3A_56] : memref<10240x32xf32, #tpu.memory_space<vmem_shared>> -> memref<320x32xf32, #tpu.memory_space<vmem_shared>>
        tpu.enqueue_dma source(%arg16 : memref<320x32xf32, #tpu.memory_space<vmem>>) target(%dma_start3A_57 : memref<320x32xf32, #tpu.memory_space<vmem_shared>>) target_semaphore(%run_scoped3A : memref<!tpu.dma_semaphore, #tpu.memory_space<semaphore_mem>>)
        %dma_wait3A = arith.constant 0 : i32
        %dma_wait3A_58 = tpu.memref_slice %arg8[%add3A_39, %dma_wait3A] : memref<10240x32xf32, #tpu.memory_space<vmem_shared>> -> memref<320x32xf32, #tpu.memory_space<vmem_shared>>
        %dma_wait3A_59 = arith.constant 0 : i32
        %dma_wait3A_60 = tpu.memref_slice %arg8[%add3A_39, %dma_wait3A_59] : memref<10240x32xf32, #tpu.memory_space<vmem_shared>> -> memref<320x32xf32, #tpu.memory_space<vmem_shared>>
        tpu.wait_dma2 semaphore(%run_scoped3A : memref<!tpu.dma_semaphore, #tpu.memory_space<semaphore_mem>>) src(%arg16 : memref<320x32xf32, #tpu.memory_space<vmem>>) dst(%dma_wait3A_60 : memref<320x32xf32, #tpu.memory_space<vmem_shared>>)
        tpu.yield
      }) : () -> ()
      "tpu.region"() ({
        %run_scoped3A = tpu.sem_alloc : memref<!tpu.dma_semaphore, #tpu.memory_space<semaphore_mem>>
        %dma_start3A = arith.constant 0 : i32
        %dma_start3A_55 = tpu.memref_slice %arg9[%add3A_39, %dma_start3A] : memref<10240x32xf32, #tpu.memory_space<vmem_shared>> -> memref<320x32xf32, #tpu.memory_space<vmem_shared>>
        %dma_start3A_56 = arith.constant 0 : i32
        %dma_start3A_57 = tpu.memref_slice %arg9[%add3A_39, %dma_start3A_56] : memref<10240x32xf32, #tpu.memory_space<vmem_shared>> -> memref<320x32xf32, #tpu.memory_space<vmem_shared>>
        tpu.enqueue_dma source(%arg15 : memref<320x32xf32, #tpu.memory_space<vmem>>) target(%dma_start3A_57 : memref<320x32xf32, #tpu.memory_space<vmem_shared>>) target_semaphore(%run_scoped3A : memref<!tpu.dma_semaphore, #tpu.memory_space<semaphore_mem>>)
        %dma_wait3A = arith.constant 0 : i32
        %dma_wait3A_58 = tpu.memref_slice %arg9[%add3A_39, %dma_wait3A] : memref<10240x32xf32, #tpu.memory_space<vmem_shared>> -> memref<320x32xf32, #tpu.memory_space<vmem_shared>>
        %dma_wait3A_59 = arith.constant 0 : i32
        %dma_wait3A_60 = tpu.memref_slice %arg9[%add3A_39, %dma_wait3A_59] : memref<10240x32xf32, #tpu.memory_space<vmem_shared>> -> memref<320x32xf32, #tpu.memory_space<vmem_shared>>
        tpu.wait_dma2 semaphore(%run_scoped3A : memref<!tpu.dma_semaphore, #tpu.memory_space<semaphore_mem>>) src(%arg15 : memref<320x32xf32, #tpu.memory_space<vmem>>) dst(%dma_wait3A_60 : memref<320x32xf32, #tpu.memory_space<vmem_shared>>)
        tpu.yield
      }) : () -> ()
      %add3A_46 = arith.constant 320 : i32
      %add3A_47 = arith.addi %mul3A_0, %add3A_46 : i32
      "tpu.region"() ({
        %run_scoped3A = tpu.sem_alloc : memref<!tpu.dma_semaphore, #tpu.memory_space<semaphore_mem>>
        %dma_start3A = arith.constant 0 : i32
        %dma_start3A_55 = tpu.memref_slice %arg9[%add3A_47, %dma_start3A] : memref<10240x32xf32, #tpu.memory_space<vmem_shared>> -> memref<320x32xf32, #tpu.memory_space<vmem_shared>>
        %dma_start3A_56 = arith.constant 0 : i32
        %dma_start3A_57 = tpu.memref_slice %arg9[%add3A_47, %dma_start3A_56] : memref<10240x32xf32, #tpu.memory_space<vmem_shared>> -> memref<320x32xf32, #tpu.memory_space<vmem_shared>>
        tpu.enqueue_dma source(%dma_start3A_57 : memref<320x32xf32, #tpu.memory_space<vmem_shared>>) target(%arg15 : memref<320x32xf32, #tpu.memory_space<vmem>>) target_semaphore(%run_scoped3A : memref<!tpu.dma_semaphore, #tpu.memory_space<semaphore_mem>>)
        %dma_wait3A = arith.constant 0 : i32
        %dma_wait3A_58 = tpu.memref_slice %arg9[%add3A_47, %dma_wait3A] : memref<10240x32xf32, #tpu.memory_space<vmem_shared>> -> memref<320x32xf32, #tpu.memory_space<vmem_shared>>
        %dma_wait3A_59 = arith.constant 0 : i32
        %dma_wait3A_60 = tpu.memref_slice %arg9[%add3A_47, %dma_wait3A_59] : memref<10240x32xf32, #tpu.memory_space<vmem_shared>> -> memref<320x32xf32, #tpu.memory_space<vmem_shared>>
        tpu.wait_dma2 semaphore(%run_scoped3A : memref<!tpu.dma_semaphore, #tpu.memory_space<semaphore_mem>>) src(%dma_wait3A_60 : memref<320x32xf32, #tpu.memory_space<vmem_shared>>) dst(%arg15 : memref<320x32xf32, #tpu.memory_space<vmem>>)
        tpu.yield
      }) : () -> ()
      "tpu.region"() ({
        %run_scoped3A = tpu.sem_alloc : memref<!tpu.dma_semaphore, #tpu.memory_space<semaphore_mem>>
        %dma_start3A = arith.constant 0 : i32
        %dma_start3A_55 = tpu.memref_slice %arg8[%add3A_47, %dma_start3A] : memref<10240x32xf32, #tpu.memory_space<vmem_shared>> -> memref<320x32xf32, #tpu.memory_space<vmem_shared>>
        %dma_start3A_56 = arith.constant 0 : i32
        %dma_start3A_57 = tpu.memref_slice %arg8[%add3A_47, %dma_start3A_56] : memref<10240x32xf32, #tpu.memory_space<vmem_shared>> -> memref<320x32xf32, #tpu.memory_space<vmem_shared>>
        tpu.enqueue_dma source(%dma_start3A_57 : memref<320x32xf32, #tpu.memory_space<vmem_shared>>) target(%arg16 : memref<320x32xf32, #tpu.memory_space<vmem>>) target_semaphore(%run_scoped3A : memref<!tpu.dma_semaphore, #tpu.memory_space<semaphore_mem>>)
        %dma_wait3A = arith.constant 0 : i32
        %dma_wait3A_58 = tpu.memref_slice %arg8[%add3A_47, %dma_wait3A] : memref<10240x32xf32, #tpu.memory_space<vmem_shared>> -> memref<320x32xf32, #tpu.memory_space<vmem_shared>>
        %dma_wait3A_59 = arith.constant 0 : i32
        %dma_wait3A_60 = tpu.memref_slice %arg8[%add3A_47, %dma_wait3A_59] : memref<10240x32xf32, #tpu.memory_space<vmem_shared>> -> memref<320x32xf32, #tpu.memory_space<vmem_shared>>
        tpu.wait_dma2 semaphore(%run_scoped3A : memref<!tpu.dma_semaphore, #tpu.memory_space<semaphore_mem>>) src(%dma_wait3A_60 : memref<320x32xf32, #tpu.memory_space<vmem_shared>>) dst(%arg16 : memref<320x32xf32, #tpu.memory_space<vmem>>)
        tpu.yield
      }) : () -> ()
      %scan3A_48 = arith.constant 0 : i32
      %scan3A_49 = arith.constant 0 : i32
      %scan3A_50 = arith.constant 320 : i32
      %scan3A_51 = arith.addi %scan3A_49, %scan3A_50 : i32
      %scan3A_52 = arith.constant 1 : i32
      scf.for %scan3A_55 = %scan3A_49 to %scan3A_51 step %scan3A_52  : i32 {
        %get3A_56 = arith.index_cast %scan3A_55 : i32 to index
        %get3A_57 = arith.constant 0 : index
        %get3A_58 = tpu.vector_load %arg15[%get3A_56, %get3A_57] {strides = array<i32>} : memref<320x32xf32, #tpu.memory_space<vmem>>, vector<1x16xf32>,
        %get3A_59 = vector.shape_cast %get3A_58 : vector<1x16xf32> to vector<16xf32>
        %get3A_60 = arith.index_cast %scan3A_55 : i32 to index
        %get3A_61 = arith.constant 0 : index
        %get3A_62 = tpu.vector_load %arg16[%get3A_60, %get3A_61] {strides = array<i32>} : memref<320x32xf32, #tpu.memory_space<vmem>>, vector<1x16xf32>,
        %get3A_63 = vector.shape_cast %get3A_62 : vector<1x16xf32> to vector<16xf32>
        %add3A_64 = arith.addf %get3A_59, %get3A_63 : vector<16xf32>
        %add3A_65 = arith.constant 320 : i32
        %add3A_66 = arith.addi %add3A_65, %scan3A_55 : i32
        %get3A_67 = arith.index_cast %add3A_66 : i32 to index
        %get3A_68 = arith.constant 0 : index
        %get3A_69 = tpu.vector_load %arg14[%get3A_67, %get3A_68] {strides = array<i32>} : memref<640x32xf32, #tpu.memory_space<vmem>>, vector<1x16xf32>,
        %get3A_70 = vector.shape_cast %get3A_69 : vector<1x16xf32> to vector<16xf32>
        %mul3A_71 = arith.mulf %add3A_64, %get3A_70 : vector<16xf32>
        %swap3A = arith.index_cast %scan3A_55 : i32 to index
        %swap3A_72 = arith.constant 0 : index
        %swap3A_73 = tpu.vector_load %arg16[%swap3A, %swap3A_72] {strides = array<i32>} : memref<320x32xf32, #tpu.memory_space<vmem>>, vector<1x16xf32>,
        %swap3A_74 = vector.shape_cast %swap3A_73 : vector<1x16xf32> to vector<16xf32>
        %swap3A_75 = vector.shape_cast %mul3A_71 : vector<16xf32> to vector<1x16xf32>
        tpu.vector_store %arg16[%swap3A, %swap3A_72], %swap3A_75 {strides = array<i32>} : memref<320x32xf32, #tpu.memory_space<vmem>>, vector<1x16xf32>,
        %swap3A_76 = arith.index_cast %scan3A_55 : i32 to index
        %swap3A_77 = arith.constant 0 : index
        %swap3A_78 = tpu.vector_load %arg15[%swap3A_76, %swap3A_77] {strides = array<i32>} : memref<320x32xf32, #tpu.memory_space<vmem>>, vector<1x16xf32>,
        %swap3A_79 = vector.shape_cast %swap3A_78 : vector<1x16xf32> to vector<16xf32>
        %swap3A_80 = vector.shape_cast %broadcast_in_dim3A_1 : vector<16xf32> to vector<1x16xf32>
        tpu.vector_store %arg15[%swap3A_76, %swap3A_77], %swap3A_80 {strides = array<i32>} : memref<320x32xf32, #tpu.memory_space<vmem>>, vector<1x16xf32>,
        %add3A_81 = arith.constant 320 : i32
        %add3A_82 = arith.addi %add3A_81, %scan3A_55 : i32
        %get3A_83 = arith.index_cast %add3A_82 : i32 to index
        %get3A_84 = arith.constant 0 : index
        %get3A_85 = tpu.vector_load %arg13[%get3A_83, %get3A_84] {strides = array<i32>} : memref<640x32xf32, #tpu.memory_space<vmem>>, vector<1x16xf32>,
        %get3A_86 = vector.shape_cast %get3A_85 : vector<1x16xf32> to vector<16xf32>
        %mul3A_87 = arith.mulf %get3A_37, %mul3A_71 : vector<16xf32>
        %add3A_88 = arith.addf %get3A_86, %mul3A_87 : vector<16xf32>
        %add3A_89 = arith.constant 320 : i32
        %add3A_90 = arith.addi %add3A_89, %scan3A_55 : i32
        %swap3A_91 = arith.index_cast %add3A_90 : i32 to index
        %swap3A_92 = arith.constant 0 : index
        %swap3A_93 = tpu.vector_load %arg13[%swap3A_91, %swap3A_92] {strides = array<i32>} : memref<640x32xf32, #tpu.memory_space<vmem>>, vector<1x16xf32>,
        %swap3A_94 = vector.shape_cast %swap3A_93 : vector<1x16xf32> to vector<16xf32>
        %swap3A_95 = vector.shape_cast %add3A_88 : vector<16xf32> to vector<1x16xf32>
        tpu.vector_store %arg13[%swap3A_91, %swap3A_92], %swap3A_95 {strides = array<i32>} : memref<640x32xf32, #tpu.memory_space<vmem>>, vector<1x16xf32>,
        %get3A_96 = arith.index_cast %scan3A_55 : i32 to index
        %get3A_97 = arith.constant 16 : index
        %get3A_98 = tpu.vector_load %arg15[%get3A_96, %get3A_97] {strides = array<i32>} : memref<320x32xf32, #tpu.memory_space<vmem>>, vector<1x16xf32>,
        %get3A_99 = vector.shape_cast %get3A_98 : vector<1x16xf32> to vector<16xf32>
        %get3A_100 = arith.index_cast %scan3A_55 : i32 to index
        %get3A_101 = arith.constant 16 : index
        %get3A_102 = tpu.vector_load %arg16[%get3A_100, %get3A_101] {strides = array<i32>} : memref<320x32xf32, #tpu.memory_space<vmem>>, vector<1x16xf32>,
        %get3A_103 = vector.shape_cast %get3A_102 : vector<1x16xf32> to vector<16xf32>
        %add3A_104 = arith.addf %get3A_99, %get3A_103 : vector<16xf32>
        %add3A_105 = arith.constant 320 : i32
        %add3A_106 = arith.addi %add3A_105, %scan3A_55 : i32
        %get3A_107 = arith.index_cast %add3A_106 : i32 to index
        %get3A_108 = arith.constant 16 : index
        %get3A_109 = tpu.vector_load %arg14[%get3A_107, %get3A_108] {strides = array<i32>} : memref<640x32xf32, #tpu.memory_space<vmem>>, vector<1x16xf32>,
        %get3A_110 = vector.shape_cast %get3A_109 : vector<1x16xf32> to vector<16xf32>
        %mul3A_111 = arith.mulf %add3A_104, %get3A_110 : vector<16xf32>
        %swap3A_112 = arith.index_cast %scan3A_55 : i32 to index
        %swap3A_113 = arith.constant 16 : index
        %swap3A_114 = tpu.vector_load %arg16[%swap3A_112, %swap3A_113] {strides = array<i32>} : memref<320x32xf32, #tpu.memory_space<vmem>>, vector<1x16xf32>,
        %swap3A_115 = vector.shape_cast %swap3A_114 : vector<1x16xf32> to vector<16xf32>
        %swap3A_116 = vector.shape_cast %mul3A_111 : vector<16xf32> to vector<1x16xf32>
        tpu.vector_store %arg16[%swap3A_112, %swap3A_113], %swap3A_116 {strides = array<i32>} : memref<320x32xf32, #tpu.memory_space<vmem>>, vector<1x16xf32>,
        %swap3A_117 = arith.index_cast %scan3A_55 : i32 to index
        %swap3A_118 = arith.constant 16 : index
        %swap3A_119 = tpu.vector_load %arg15[%swap3A_117, %swap3A_118] {strides = array<i32>} : memref<320x32xf32, #tpu.memory_space<vmem>>, vector<1x16xf32>,
        %swap3A_120 = vector.shape_cast %swap3A_119 : vector<1x16xf32> to vector<16xf32>
        %swap3A_121 = vector.shape_cast %broadcast_in_dim3A_1 : vector<16xf32> to vector<1x16xf32>
        tpu.vector_store %arg15[%swap3A_117, %swap3A_118], %swap3A_121 {strides = array<i32>} : memref<320x32xf32, #tpu.memory_space<vmem>>, vector<1x16xf32>,
        %add3A_122 = arith.constant 320 : i32
        %add3A_123 = arith.addi %add3A_122, %scan3A_55 : i32
        %get3A_124 = arith.index_cast %add3A_123 : i32 to index
        %get3A_125 = arith.constant 16 : index
        %get3A_126 = tpu.vector_load %arg13[%get3A_124, %get3A_125] {strides = array<i32>} : memref<640x32xf32, #tpu.memory_space<vmem>>, vector<1x16xf32>,
        %get3A_127 = vector.shape_cast %get3A_126 : vector<1x16xf32> to vector<16xf32>
        %mul3A_128 = arith.mulf %get3A_37, %mul3A_111 : vector<16xf32>
        %add3A_129 = arith.addf %get3A_127, %mul3A_128 : vector<16xf32>
        %add3A_130 = arith.constant 320 : i32
        %add3A_131 = arith.addi %add3A_130, %scan3A_55 : i32
        %swap3A_132 = arith.index_cast %add3A_131 : i32 to index
        %swap3A_133 = arith.constant 16 : index
        %swap3A_134 = tpu.vector_load %arg13[%swap3A_132, %swap3A_133] {strides = array<i32>} : memref<640x32xf32, #tpu.memory_space<vmem>>, vector<1x16xf32>,
        %swap3A_135 = vector.shape_cast %swap3A_134 : vector<1x16xf32> to vector<16xf32>
        %swap3A_136 = vector.shape_cast %add3A_129 : vector<16xf32> to vector<1x16xf32>
        tpu.vector_store %arg13[%swap3A_132, %swap3A_133], %swap3A_136 {strides = array<i32>} : memref<640x32xf32, #tpu.memory_space<vmem>>, vector<1x16xf32>,
      }
      %scan3A_53 = arith.constant 320 : i32
      "tpu.region"() ({
        %run_scoped3A = tpu.sem_alloc : memref<!tpu.dma_semaphore, #tpu.memory_space<semaphore_mem>>
        %dma_start3A = arith.constant 0 : i32
        %dma_start3A_55 = tpu.memref_slice %arg8[%add3A_47, %dma_start3A] : memref<10240x32xf32, #tpu.memory_space<vmem_shared>> -> memref<320x32xf32, #tpu.memory_space<vmem_shared>>
        %dma_start3A_56 = arith.constant 0 : i32
        %dma_start3A_57 = tpu.memref_slice %arg8[%add3A_47, %dma_start3A_56] : memref<10240x32xf32, #tpu.memory_space<vmem_shared>> -> memref<320x32xf32, #tpu.memory_space<vmem_shared>>
        tpu.enqueue_dma source(%arg16 : memref<320x32xf32, #tpu.memory_space<vmem>>) target(%dma_start3A_57 : memref<320x32xf32, #tpu.memory_space<vmem_shared>>) target_semaphore(%run_scoped3A : memref<!tpu.dma_semaphore, #tpu.memory_space<semaphore_mem>>)
        %dma_wait3A = arith.constant 0 : i32
        %dma_wait3A_58 = tpu.memref_slice %arg8[%add3A_47, %dma_wait3A] : memref<10240x32xf32, #tpu.memory_space<vmem_shared>> -> memref<320x32xf32, #tpu.memory_space<vmem_shared>>
        %dma_wait3A_59 = arith.constant 0 : i32
        %dma_wait3A_60 = tpu.memref_slice %arg8[%add3A_47, %dma_wait3A_59] : memref<10240x32xf32, #tpu.memory_space<vmem_shared>> -> memref<320x32xf32, #tpu.memory_space<vmem_shared>>
        tpu.wait_dma2 semaphore(%run_scoped3A : memref<!tpu.dma_semaphore, #tpu.memory_space<semaphore_mem>>) src(%arg16 : memref<320x32xf32, #tpu.memory_space<vmem>>) dst(%dma_wait3A_60 : memref<320x32xf32, #tpu.memory_space<vmem_shared>>)
        tpu.yield
      }) : () -> ()
      "tpu.region"() ({
        %run_scoped3A = tpu.sem_alloc : memref<!tpu.dma_semaphore, #tpu.memory_space<semaphore_mem>>
        %dma_start3A = arith.constant 0 : i32
        %dma_start3A_55 = tpu.memref_slice %arg9[%add3A_47, %dma_start3A] : memref<10240x32xf32, #tpu.memory_space<vmem_shared>> -> memref<320x32xf32, #tpu.memory_space<vmem_shared>>
        %dma_start3A_56 = arith.constant 0 : i32
        %dma_start3A_57 = tpu.memref_slice %arg9[%add3A_47, %dma_start3A_56] : memref<10240x32xf32, #tpu.memory_space<vmem_shared>> -> memref<320x32xf32, #tpu.memory_space<vmem_shared>>
        tpu.enqueue_dma source(%arg15 : memref<320x32xf32, #tpu.memory_space<vmem>>) target(%dma_start3A_57 : memref<320x32xf32, #tpu.memory_space<vmem_shared>>) target_semaphore(%run_scoped3A : memref<!tpu.dma_semaphore, #tpu.memory_space<semaphore_mem>>)
        %dma_wait3A = arith.constant 0 : i32
        %dma_wait3A_58 = tpu.memref_slice %arg9[%add3A_47, %dma_wait3A] : memref<10240x32xf32, #tpu.memory_space<vmem_shared>> -> memref<320x32xf32, #tpu.memory_space<vmem_shared>>
        %dma_wait3A_59 = arith.constant 0 : i32
        %dma_wait3A_60 = tpu.memref_slice %arg9[%add3A_47, %dma_wait3A_59] : memref<10240x32xf32, #tpu.memory_space<vmem_shared>> -> memref<320x32xf32, #tpu.memory_space<vmem_shared>>
        tpu.wait_dma2 semaphore(%run_scoped3A : memref<!tpu.dma_semaphore, #tpu.memory_space<semaphore_mem>>) src(%arg15 : memref<320x32xf32, #tpu.memory_space<vmem>>) dst(%dma_wait3A_60 : memref<320x32xf32, #tpu.memory_space<vmem_shared>>)
        tpu.yield
      }) : () -> ()
      %barrier3A_54 = arith.constant 0 : index
      tpu.barrier barrier_id(%barrier3A_54)
    }
    %scan3A_25 = arith.constant 10 : i32
    "tpu.region"() ({
      %run_scoped3A = tpu.sem_alloc : memref<!tpu.dma_semaphore, #tpu.memory_space<semaphore_mem>>
      %dma_start3A = arith.constant 0 : i32
      %dma_start3A_26 = tpu.memref_slice %arg7[%arg0, %mul3A_0, %dma_start3A] : memref<2x10240x32xf32, #tpu.memory_space<hbm>> -> memref<1x640x32xf32, #tpu.memory_space<hbm>>
      %dma_start3A_27 = tpu.memref_squeeze %dma_start3A_26 : memref<1x640x32xf32, #tpu.memory_space<hbm>> -> memref<640x32xf32, #tpu.memory_space<hbm>>
      %dma_start3A_28 = arith.constant 0 : i32
      %dma_start3A_29 = tpu.memref_slice %arg7[%arg0, %mul3A_0, %dma_start3A_28] : memref<2x10240x32xf32, #tpu.memory_space<hbm>> -> memref<1x640x32xf32, #tpu.memory_space<hbm>>
      %dma_start3A_30 = tpu.memref_squeeze %dma_start3A_29 : memref<1x640x32xf32, #tpu.memory_space<hbm>> -> memref<640x32xf32, #tpu.memory_space<hbm>>
      tpu.enqueue_dma source(%arg13 : memref<640x32xf32, #tpu.memory_space<vmem>>) target(%dma_start3A_30 : memref<640x32xf32, #tpu.memory_space<hbm>>) target_semaphore(%run_scoped3A : memref<!tpu.dma_semaphore, #tpu.memory_space<semaphore_mem>>)
      %dma_wait3A = arith.constant 0 : i32
      %dma_wait3A_31 = tpu.memref_slice %arg7[%arg0, %mul3A_0, %dma_wait3A] : memref<2x10240x32xf32, #tpu.memory_space<hbm>> -> memref<1x640x32xf32, #tpu.memory_space<hbm>>
      %dma_wait3A_32 = tpu.memref_squeeze %dma_wait3A_31 : memref<1x640x32xf32, #tpu.memory_space<hbm>> -> memref<640x32xf32, #tpu.memory_space<hbm>>
      %dma_wait3A_33 = arith.constant 0 : i32
      %dma_wait3A_34 = tpu.memref_slice %arg7[%arg0, %mul3A_0, %dma_wait3A_33] : memref<2x10240x32xf32, #tpu.memory_space<hbm>> -> memref<1x640x32xf32, #tpu.memory_space<hbm>>
      %dma_wait3A_35 = tpu.memref_squeeze %dma_wait3A_34 : memref<1x640x32xf32, #tpu.memory_space<hbm>> -> memref<640x32xf32, #tpu.memory_space<hbm>>
      tpu.wait_dma2 semaphore(%run_scoped3A : memref<!tpu.dma_semaphore, #tpu.memory_space<semaphore_mem>>) src(%arg13 : memref<640x32xf32, #tpu.memory_space<vmem>>) dst(%dma_wait3A_35 : memref<640x32xf32, #tpu.memory_space<hbm>>)
      tpu.yield
    }) : () -> ()
    return
  }
}

module attributes {stable_mosaic.version = 14 : i64} {
  func.func @_k2_body(%arg0: i32, %arg1: memref<1024x128xf32, #tpu.memory_space<vmem>>, %arg2: memref<256x128xf32, #tpu.memory_space<vmem>>, %arg3: memref<1x256xf32, #tpu.memory_space<vmem>>, %arg4: memref<64x256xf32, #tpu.memory_space<vmem>>, %arg5: memref<1x64xf32, #tpu.memory_space<vmem>>, %arg6: memref<1024x2xf32, #tpu.memory_space<vmem>>, %arg7: memref<2x1024x32xf32, #tpu.memory_space<vmem>>, %arg8: memref<1024x32xf32, #tpu.memory_space<vmem>>, %arg9: memref<1024x1xf32, #tpu.memory_space<vmem>>) attributes {dimension_semantics = [#tpu.dimension_semantics<arbitrary>], iteration_bounds = array<i64: 10>, scalar_prefetch = 0 : i64, scratch_operands = 0 : i64, tpu.core_type = #tpu.core_type<tc>, window_params = [{transform_indices = @transform_0, window_bounds = array<i64: 1024, 128>}, {pipeline_mode = #tpu.pipeline_mode<synchronous>, transform_indices = @transform_1, window_bounds = array<i64: 256, 128>}, {pipeline_mode = #tpu.pipeline_mode<synchronous>, transform_indices = @transform_2, window_bounds = array<i64: 1, 256>}, {pipeline_mode = #tpu.pipeline_mode<synchronous>, transform_indices = @transform_3, window_bounds = array<i64: 64, 256>}, {pipeline_mode = #tpu.pipeline_mode<synchronous>, transform_indices = @transform_4, window_bounds = array<i64: 1, 64>}, {transform_indices = @transform_5, window_bounds = array<i64: 1024, 2>}, {transform_indices = @transform_6, window_bounds = array<i64: 2, 1024, 32>}, {transform_indices = @transform_7, window_bounds = array<i64: 1024, 32>}, {transform_indices = @transform_8, window_bounds = array<i64: 1024, 1>}]} {
    %get3A = arith.constant 0 : index
    %get3A_0 = arith.constant 0 : index
    %get3A_1 = vector.load %arg1[%get3A, %get3A_0] : memref<1024x128xf32, #tpu.memory_space<vmem>>, vector<1024x128xf32>
    %get3A_2 = arith.constant 0 : index
    %get3A_3 = arith.constant 0 : index
    %get3A_4 = vector.load %arg2[%get3A_2, %get3A_3] : memref<256x128xf32, #tpu.memory_space<vmem>>, vector<256x128xf32>
    %dot_general3A = arith.constant dense<0.000000e+00> : vector<1024x256xf32>
    %dot_general3A_5 = tpu.matmul %get3A_1, %get3A_4, %dot_general3A {dimension_numbers = #tpu.dot_dimension_numbers<[1], [1], [0], [0], [0, 0, 1, 0], [], []>, transpose_lhs_hint = false} : vector<1024x128xf32>, vector<256x128xf32>, vector<1024x256xf32> -> vector<1024x256xf32>
    %get3A_6 = arith.constant 0 : index
    %get3A_7 = arith.constant 0 : index
    %get3A_8 = vector.load %arg3[%get3A_6, %get3A_7] : memref<1x256xf32, #tpu.memory_space<vmem>>, vector<1x256xf32>
    %add3A = vector.broadcast %get3A_8 : vector<1x256xf32> to vector<1024x256xf32>
    %add3A_9 = arith.addf %dot_general3A_5, %add3A : vector<1024x256xf32>
    %max3A = arith.constant 0.000000e+00 : f32
    %max3A_10 = vector.broadcast %max3A : f32 to vector<1024x256xf32>
    %max3A_11 = arith.maximumf %add3A_9, %max3A_10 : vector<1024x256xf32>
    %get3A_12 = arith.constant 0 : index
    %get3A_13 = arith.constant 0 : index
    %get3A_14 = vector.load %arg4[%get3A_12, %get3A_13] : memref<64x256xf32, #tpu.memory_space<vmem>>, vector<64x256xf32>
    %dot_general3A_15 = arith.constant dense<0.000000e+00> : vector<1024x64xf32>
    %dot_general3A_16 = tpu.matmul %max3A_11, %get3A_14, %dot_general3A_15 {dimension_numbers = #tpu.dot_dimension_numbers<[1], [1], [0], [0], [0, 0, 1, 0], [], []>, transpose_lhs_hint = false} : vector<1024x256xf32>, vector<64x256xf32>, vector<1024x64xf32> -> vector<1024x64xf32>
    %get3A_17 = arith.constant 0 : index
    %get3A_18 = arith.constant 0 : index
    %get3A_19 = vector.load %arg5[%get3A_17, %get3A_18] : memref<1x64xf32, #tpu.memory_space<vmem>>, vector<1x64xf32>
    %add3A_20 = vector.broadcast %get3A_19 : vector<1x64xf32> to vector<1024x64xf32>
    %add3A_21 = arith.addf %dot_general3A_16, %add3A_20 : vector<1024x64xf32>
    %get3A_22 = arith.constant 0 : index
    %get3A_23 = arith.constant 0 : index
    %get3A_24 = vector.load %arg6[%get3A_22, %get3A_23] : memref<1024x2xf32, #tpu.memory_space<vmem>>, vector<1024x1xf32>
    %add3A_25 = arith.constant 1.000000e+00 : f32
    %add3A_26 = vector.broadcast %add3A_25 : f32 to vector<1024x1xf32>
    %add3A_27 = arith.addf %add3A_26, %get3A_24 : vector<1024x1xf32>
    %get3A_28 = arith.constant 0 : index
    %get3A_29 = arith.constant 1 : index
    %get3A_30 = vector.load %arg6[%get3A_28, %get3A_29] : memref<1024x2xf32, #tpu.memory_space<vmem>>, vector<1024x1xf32>
    %add3A_31 = arith.addf %add3A_27, %get3A_30 : vector<1024x1xf32>
    %mul3A = arith.constant 1024 : i32
    %mul3A_32 = arith.muli %arg0, %mul3A : i32
    %iota3A = tpu.iota {dimensions = array<i32: 0>} : vector<1024x1xi32>
    %add3A_33 = vector.broadcast %mul3A_32 : i32 to vector<1024x1xi32>
    %add3A_34 = arith.addi %add3A_33, %iota3A : vector<1024x1xi32>
    %lt3A = arith.constant 10000 : i32
    %lt3A_35 = vector.broadcast %lt3A : i32 to vector<1024x1xi32>
    %lt3A_36 = arith.cmpi slt, %add3A_34, %lt3A_35 : vector<1024x1xi32>
    %rsqrt3A = math.rsqrt %add3A_31 : vector<1024x1xf32>
    %mul3A_37 = vector.broadcast %rsqrt3A : vector<1024x1xf32> to vector<1024x64xf32>
    %mul3A_38 = arith.mulf %add3A_21, %mul3A_37 : vector<1024x64xf32>
    %jit3A = arith.constant 0.000000e+00 : f32
    %broadcast_in_dim3A = vector.shape_cast %lt3A_36 : vector<1024x1xi1> to vector<1024x1xi1>
    %broadcast_in_dim3A_39 = vector.broadcast %broadcast_in_dim3A : vector<1024x1xi1> to vector<1024x64xi1>
    %broadcast_in_dim3A_40 = vector.broadcast %jit3A : f32 to vector<1024x64xf32>
    %select_n3A = arith.select %broadcast_in_dim3A_39, %mul3A_38, %broadcast_in_dim3A_40 : vector<1024x64xi1>, vector<1024x64xf32>
    %slice3A = vector.extract_strided_slice %select_n3A {offsets = [0, 0], sizes = [1024, 32], strides = [1, 1]} : vector<1024x64xf32> to vector<1024x32xf32>
    %swap3A = arith.constant 0 : index
    %swap3A_41 = arith.constant 0 : index
    %swap3A_42 = arith.constant 0 : index
    %swap3A_43 = vector.load %arg7[%swap3A, %swap3A_41, %swap3A_42] : memref<2x1024x32xf32, #tpu.memory_space<vmem>>, vector<1x1024x32xf32>
    %swap3A_44 = vector.shape_cast %swap3A_43 : vector<1x1024x32xf32> to vector<1024x32xf32>
    %swap3A_45 = vector.shape_cast %slice3A : vector<1024x32xf32> to vector<1x1024x32xf32>
    tpu.vector_store %arg7[%swap3A, %swap3A_41, %swap3A_42], %swap3A_45 {strides = array<i32>} : memref<2x1024x32xf32, #tpu.memory_space<vmem>>, vector<1x1024x32xf32>,
    %slice3A_46 = vector.extract_strided_slice %select_n3A {offsets = [0, 32], sizes = [1024, 32], strides = [1, 1]} : vector<1024x64xf32> to vector<1024x32xf32>
    %swap3A_47 = arith.constant 1 : index
    %swap3A_48 = arith.constant 0 : index
    %swap3A_49 = arith.constant 0 : index
    %swap3A_50 = vector.load %arg7[%swap3A_47, %swap3A_48, %swap3A_49] : memref<2x1024x32xf32, #tpu.memory_space<vmem>>, vector<1x1024x32xf32>
    %swap3A_51 = vector.shape_cast %swap3A_50 : vector<1x1024x32xf32> to vector<1024x32xf32>
    %swap3A_52 = vector.shape_cast %slice3A_46 : vector<1024x32xf32> to vector<1x1024x32xf32>
    tpu.vector_store %arg7[%swap3A_47, %swap3A_48, %swap3A_49], %swap3A_52 {strides = array<i32>} : memref<2x1024x32xf32, #tpu.memory_space<vmem>>, vector<1x1024x32xf32>,
    %div3A = arith.constant 1.000000e+00 : f32
    %div3A_53 = vector.broadcast %div3A : f32 to vector<1024x1xf32>
    %div3A_54 = arith.divf %div3A_53, %add3A_31 : vector<1024x1xf32>
    %broadcast_in_dim3A_55 = vector.shape_cast %div3A_54 : vector<1024x1xf32> to vector<1024x1xf32>
    %broadcast_in_dim3A_56 = vector.broadcast %broadcast_in_dim3A_55 : vector<1024x1xf32> to vector<1024x32xf32>
    %swap3A_57 = arith.constant 0 : index
    %swap3A_58 = arith.constant 0 : index
    %swap3A_59 = vector.load %arg8[%swap3A_57, %swap3A_58] : memref<1024x32xf32, #tpu.memory_space<vmem>>, vector<1024x32xf32>
    tpu.vector_store %arg8[%swap3A_57, %swap3A_58], %broadcast_in_dim3A_56 {strides = array<i32>} : memref<1024x32xf32, #tpu.memory_space<vmem>>, vector<1024x32xf32>,
    %sqrt3A = math.sqrt %add3A_31 : vector<1024x1xf32>
    %swap3A_60 = arith.constant 0 : index
    %swap3A_61 = arith.constant 0 : index
    %swap3A_62 = vector.load %arg9[%swap3A_60, %swap3A_61] : memref<1024x1xf32, #tpu.memory_space<vmem>>, vector<1024x1xf32>
    tpu.vector_store %arg9[%swap3A_60, %swap3A_61], %sqrt3A {strides = array<i32>} : memref<1024x1xf32, #tpu.memory_space<vmem>>, vector<1024x1xf32>,
    return
  }
  func.func @transform_0(%arg0: i32) -> (i32, i32) {
    %c0_i32 = arith.constant 0 : i32
    %c0_i32_0 = arith.constant 0 : i32
    return %arg0, %c0_i32 : i32, i32
  }
  func.func @transform_1(%arg0: i32) -> (i32, i32) {
    %c0_i32 = arith.constant 0 : i32
    %c0_i32_0 = arith.constant 0 : i32
    %c0_i32_1 = arith.constant 0 : i32
    return %c0_i32, %c0_i32_0 : i32, i32
  }
  func.func @transform_2(%arg0: i32) -> (i32, i32) {
    %c0_i32 = arith.constant 0 : i32
    %c0_i32_0 = arith.constant 0 : i32
    %c0_i32_1 = arith.constant 0 : i32
    return %c0_i32, %c0_i32_0 : i32, i32
  }
  func.func @transform_3(%arg0: i32) -> (i32, i32) {
    %c0_i32 = arith.constant 0 : i32
    %c0_i32_0 = arith.constant 0 : i32
    %c0_i32_1 = arith.constant 0 : i32
    return %c0_i32, %c0_i32_0 : i32, i32
  }
  func.func @transform_4(%arg0: i32) -> (i32, i32) {
    %c0_i32 = arith.constant 0 : i32
    %c0_i32_0 = arith.constant 0 : i32
    %c0_i32_1 = arith.constant 0 : i32
    return %c0_i32, %c0_i32_0 : i32, i32
  }
  func.func @transform_5(%arg0: i32) -> (i32, i32) {
    %c0_i32 = arith.constant 0 : i32
    %c0_i32_0 = arith.constant 0 : i32
    return %arg0, %c0_i32 : i32, i32
  }
  func.func @transform_6(%arg0: i32) -> (i32, i32, i32) {
    %c0_i32 = arith.constant 0 : i32
    %c0_i32_0 = arith.constant 0 : i32
    %c0_i32_1 = arith.constant 0 : i32
    return %c0_i32, %arg0, %c0_i32_0 : i32, i32, i32
  }
  func.func @transform_7(%arg0: i32) -> (i32, i32) {
    %c0_i32 = arith.constant 0 : i32
    %c0_i32_0 = arith.constant 0 : i32
    return %arg0, %c0_i32 : i32, i32
  }
  func.func @transform_8(%arg0: i32) -> (i32, i32) {
    %c0_i32 = arith.constant 0 : i32
    %c0_i32_0 = arith.constant 0 : i32
    return %arg0, %c0_i32 : i32, i32
  }
}

module attributes {stable_mosaic.version = 14 : i64} {
  func.func @_k4_body(%arg0: i32, %arg1: memref<2x1024x32xf32, #tpu.memory_space<vmem>>, %arg2: memref<1024x1xf32, #tpu.memory_space<vmem>>, %arg3: memref<1024x64xf32, #tpu.memory_space<vmem>>) attributes {dimension_semantics = [#tpu.dimension_semantics<arbitrary>], iteration_bounds = array<i64: 10>, scalar_prefetch = 0 : i64, scratch_operands = 0 : i64, tpu.core_type = #tpu.core_type<tc>, window_params = [{transform_indices = @transform_0, window_bounds = array<i64: 2, 1024, 32>}, {transform_indices = @transform_1, window_bounds = array<i64: 1024, 1>}, {transform_indices = @transform_2, window_bounds = array<i64: 1024, 64>}]} {
    %get3A = arith.constant 0 : index
    %get3A_0 = arith.constant 0 : index
    %get3A_1 = arith.constant 0 : index
    %get3A_2 = vector.load %arg1[%get3A, %get3A_0, %get3A_1] : memref<2x1024x32xf32, #tpu.memory_space<vmem>>, vector<1x1024x32xf32>
    %get3A_3 = vector.shape_cast %get3A_2 : vector<1x1024x32xf32> to vector<1024x32xf32>
    %get3A_4 = arith.constant 1 : index
    %get3A_5 = arith.constant 0 : index
    %get3A_6 = arith.constant 0 : index
    %get3A_7 = vector.load %arg1[%get3A_4, %get3A_5, %get3A_6] : memref<2x1024x32xf32, #tpu.memory_space<vmem>>, vector<1x1024x32xf32>
    %get3A_8 = vector.shape_cast %get3A_7 : vector<1x1024x32xf32> to vector<1024x32xf32>
    %concatenate3A = tpu.concatenate %get3A_3, %get3A_8 in 1 : vector<1024x32xf32>, vector<1024x32xf32> -> vector<1024x64xf32>
    %get3A_9 = arith.constant 0 : index
    %get3A_10 = arith.constant 0 : index
    %get3A_11 = vector.load %arg2[%get3A_9, %get3A_10] : memref<1024x1xf32, #tpu.memory_space<vmem>>, vector<1024x1xf32>
    %mul3A = vector.broadcast %get3A_11 : vector<1024x1xf32> to vector<1024x64xf32>
    %mul3A_12 = arith.mulf %concatenate3A, %mul3A : vector<1024x64xf32>
    %reduce_max3A = arith.constant dense<0xFF800000> : vector<1024xf32>
    %reduce_max3A_13 = vector.multi_reduction <maximumf>, %mul3A_12, %reduce_max3A [1] : vector<1024x64xf32> to vector<1024xf32>
    %broadcast_in_dim3A = vector.shape_cast %reduce_max3A_13 : vector<1024xf32> to vector<1024x1xf32>
    %sub3A = vector.broadcast %broadcast_in_dim3A : vector<1024x1xf32> to vector<1024x64xf32>
    %sub3A_14 = arith.subf %mul3A_12, %sub3A : vector<1024x64xf32>
    %exp3A = math.exp %sub3A_14 : vector<1024x64xf32>
    %reduce_sum3A = arith.constant dense<0.000000e+00> : vector<1024xf32>
    %reduce_sum3A_15 = vector.multi_reduction <add>, %exp3A, %reduce_sum3A [1] : vector<1024x64xf32> to vector<1024xf32>
    %broadcast_in_dim3A_16 = vector.shape_cast %reduce_sum3A_15 : vector<1024xf32> to vector<1024x1xf32>
    %log3A = math.log %broadcast_in_dim3A_16 : vector<1024x1xf32>
    %sub3A_17 = vector.broadcast %broadcast_in_dim3A : vector<1024x1xf32> to vector<1024x64xf32>
    %sub3A_18 = arith.subf %mul3A_12, %sub3A_17 : vector<1024x64xf32>
    %sub3A_19 = vector.broadcast %log3A : vector<1024x1xf32> to vector<1024x64xf32>
    %sub3A_20 = arith.subf %sub3A_18, %sub3A_19 : vector<1024x64xf32>
    %swap3A = arith.constant 0 : index
    %swap3A_21 = arith.constant 0 : index
    %swap3A_22 = vector.load %arg3[%swap3A, %swap3A_21] : memref<1024x64xf32, #tpu.memory_space<vmem>>, vector<1024x64xf32>
    tpu.vector_store %arg3[%swap3A, %swap3A_21], %sub3A_20 {strides = array<i32>} : memref<1024x64xf32, #tpu.memory_space<vmem>>, vector<1024x64xf32>,
    return
  }
  func.func @transform_0(%arg0: i32) -> (i32, i32, i32) {
    %c0_i32 = arith.constant 0 : i32
    %c0_i32_0 = arith.constant 0 : i32
    %c0_i32_1 = arith.constant 0 : i32
    return %c0_i32, %arg0, %c0_i32_0 : i32, i32, i32
  }
  func.func @transform_1(%arg0: i32) -> (i32, i32) {
    %c0_i32 = arith.constant 0 : i32
    %c0_i32_0 = arith.constant 0 : i32
    return %arg0, %c0_i32 : i32, i32
  }
  func.func @transform_2(%arg0: i32) -> (i32, i32) {
    %c0_i32 = arith.constant 0 : i32
    %c0_i32_0 = arith.constant 0 : i32
    return %arg0, %c0_i32 : i32, i32
  }
}

</mosaic_0001>

<sc_bundles>
// kernel: kernel.6.cloned.1.call-start
scs
__scs_entry_jumppad:
0x0: {  	(pc) =	sbr.rel $0x88, $3  }
0x1: {  	(tag) =	ssettag $0x0;
	lr =	simm.s32 $0x1  }
0x2: {  	[smem:$0x3F9A] =	sst lr;
	_ =	strace $0xD0000000  }
0x3: {  	_ = 	snop  }
0x4: {  	_ = 	snop  }
0x5: {  	_ = 	snop  }
0x6: {  	_ = 	snop  }
0x7: {  	_ = 	snop  }
__scs_overlays_trampoline_lowered:
0x8: {  	[smem:$0x3FA9] =	sst s0  }
0x9: {  	[smem:$0x3FAA] =	sst s1  }
0xa: {  	[smem:$0x3FAB] =	sst s2  }
0xb: {  	[smem:$0x3FAC] =	sst s3  }
0xc: {  	[smem:$0x3FAD] =	sst s4  }
0xd: {  	[smem:$0x3FAE] =	sst s5  }
0xe: {  	[smem:$0x3FAF] =	sst s6  }
0xf: {  	[smem:$0x3FB0] =	sst s7  }
0x10: {  	[smem:$0x3FB1] =	sst s8  }
0x11: {  	[smem:$0x3FB2] =	sst s9;
	s0 =	simm.s32 @!p0 $0x0  }
0x12: {  	s1 =	sld [smem:$0x3F98];
	s0 =	simm.s32 @p0 $0x1  }
0x13: {  	[smem:$0x3FB3] =	sst s0;
	s0 =	simm.s32 @!p1 $0x0  }
0x14: {  	s2 =	sld [smem:$0x3F97];
	s0 =	simm.s32 @p1 $0x1  }
0x15: {  	[smem:$0x3FB4] =	sst s0;
	s0 =	simm.s32 @!p2 $0x0  }
0x16: {  	s3 =	sld [smem:$0x3FDB];
	s0 =	simm.s32 @p2 $0x1  }
0x17: {  	s4 =	simm.s32 $0x1BF5;
	[smem:$0x3FB6] =	sst s0  }
0x18: {  	s0 =	sld [smem:$0x3F99];
	_ =	swait.ge [sflag:s4], $0x0  }
0x19: {  	s7 =	sld [smem:$0x3F9A]  }
0x1a: {  	s8 =	sadd.s32 $0xFFFFE003, lr  }
0x1b: {  	s9 =	sadd.s32 $0xFFFFFEF7, lr;
	s5 =	simm.s32 $0xFFFFFFFF;
	p2 =	slt.u32 s8, $0xFFFFF086  }
0x1c: {  	p1 =	slt.u32 s9, $0xF7A;
	s5 =	simm.s32 @!p2 $0x0  }
0x1d: {  	s5 =	simm.s32 @p1 $0x1;
	p0 =	seq.s32 s7, s2  }
0x1e: {  	s7 =	smul.u32 @!p0 $0xF7A, s2;
	p2 =	seq.s32 @!p0 s5, $0x0  }
0x1f: {  	s9 =	smul.u32 $0xF7A, s1;
	s8 =	simm.s32 @!p0 $0x1BF5;
	p2 =	por !p2, p0  }
0x20: {  	[sflag:s8] =	ssyncset.s32 @!p0 $0xFFFFF086;
	s6 =	sadd.s32 @!p0 s3, s7;
	s7 =	simm.s32 @!p0 $0x108  }
0x21: {  	s3 =	sadd.s32 s3, s9;
	s6 =	sadd.s32 @!p0 $0x88, s6;
	s7 =	simm.s32 @p2 $0x1082  }
0x22: {  	[simem:s7], [sflag:s8] =	dma.local @!p0 [hbm:s6], $0xF7A  }
0x23: {  	s9 =	sor.u32 $0xD0000000, s2;
	s6 =	simm.s32 $0x108;
	_ =	swait.ge @!p0 [sflag:s8], $0x0  }
0x24: {  	s3 =	sadd.s32 $0x88, s3;
	s6 =	simm.s32 @!p1 $0x1082;
	[sflag:s4] =	ssyncset.s32 $0xFFFFF086  }
0x25: {  	[simem:s6], [sflag:s4] =	dma.local [hbm:s3], $0xF7A  }
0x26: {  	[smem:$0x3F9A] =	sst s1;
	(tag) =	ssettag s2;
	_ =	strace s9  }
0x27: {  	s1 =	sld [smem:$0x3FAA]  }
0x28: {  	s2 =	sld [smem:$0x3FAB]  }
0x29: {  	s4 =	sld [smem:$0x3FAD]  }
0x2a: {  	p0 =	seq.s32 s5, $0x0;
	s5 =	sld [smem:$0x3FAE]  }
0x2b: {  	s6 =	sld [smem:$0x3FAF]  }
0x2c: {  	s7 =	sld [smem:$0x3FB0]  }
0x2d: {  	s3 =	simm.s32 $0x108;
	s8 =	sld [smem:$0x3FB1]  }
0x2e: {  	s3 =	simm.s32 @!p0 $0x1082;
	s9 =	sld [smem:$0x3FB2]  }
0x2f: {  	lr =	sadd.s32 s0, s3;
	s0 =	sld [smem:$0x3FA9]  }
0x30: {  	s3 =	sld [smem:$0x3FAC]  }
0x31: {  	[smem:$0x3FB5] =	sst s10  }
0x32: {  	s10 =	sld [smem:$0x3FB3];
	_ =	sdelay $0x3  }
0x33: {  	p0 =	seq.s32 s10, $0x1;
	s10 =	sld [smem:$0x3FB5];
	_ =	sdelay $0x3  }
0x34: {  	[smem:$0x3FB5] =	sst s10  }
0x35: {  	s10 =	sld [smem:$0x3FB4];
	_ =	sdelay $0x3  }
0x36: {  	p1 =	seq.s32 s10, $0x1;
	s10 =	sld [smem:$0x3FB5];
	_ =	sdelay $0x3  }
0x37: {  	[smem:$0x3FB5] =	sst s10  }
0x38: {  	s10 =	sld [smem:$0x3FB6]  }
0x39: {  	_ = 	snop;
	(pc) =	sbr.ind lr, $3  }
0x3a: {  	_ = 	snop  }
0x3b: {  	_ = 	snop  }
0x3c: {  	p2 =	seq.s32 s10, $0x1;
	s10 =	sld [smem:$0x3FB5]  }
0x3d: {  	_ =	shalt  }
0x3e: {  	_ =	shalt  }
0x3f: {  	_ =	shalt  }
0x40: {  	_ =	shalt  }
0x41: {  	_ =	shalt  }
0x42: {  	_ =	shalt  }
0x43: {  	_ =	shalt  }
0x44: {  	_ =	shalt  }
0x45: {  	_ =	shalt  }
0x46: {  	_ =	shalt  }
0x47: {  	_ =	shalt  }
0x48: {  	_ =	shalt  }
0x49: {  	_ =	shalt  }
0x4a: {  	_ =	shalt  }
0x4b: {  	_ =	shalt  }
0x4c: {  	_ =	shalt  }
0x4d: {  	_ =	shalt  }
0x4e: {  	_ =	shalt  }
0x4f: {  	_ =	shalt  }
0x50: {  	_ =	shalt  }
0x51: {  	_ =	shalt  }
0x52: {  	_ =	shalt  }
0x53: {  	_ =	shalt  }
0x54: {  	_ =	shalt  }
0x55: {  	_ =	shalt  }
0x56: {  	_ =	shalt  }
0x57: {  	_ =	shalt  }
0x58: {  	_ =	shalt  }
0x59: {  	_ =	shalt  }
0x5a: {  	_ =	shalt  }
0x5b: {  	_ =	shalt  }
0x5c: {  	_ =	shalt  }
0x5d: {  	_ =	shalt  }
0x5e: {  	_ =	shalt  }
0x5f: {  	_ =	shalt  }
0x60: {  	_ =	shalt  }
0x61: {  	_ =	shalt  }
0x62: {  	_ =	shalt  }
0x63: {  	_ =	shalt  }
0x64: {  	_ =	shalt  }
0x65: {  	_ =	shalt  }
0x66: {  	_ =	shalt  }
0x67: {  	_ =	shalt  }
0x68: {  	_ =	shalt  }
0x69: {  	_ =	shalt  }
0x6a: {  	_ =	shalt  }
0x6b: {  	_ =	shalt  }
0x6c: {  	_ =	shalt  }
0x6d: {  	_ =	shalt  }
0x6e: {  	_ =	shalt  }
0x6f: {  	_ =	shalt  }
0x70: {  	_ =	shalt  }
0x71: {  	_ =	shalt  }
0x72: {  	_ =	shalt  }
0x73: {  	_ =	shalt  }
0x74: {  	_ =	shalt  }
0x75: {  	_ =	shalt  }
0x76: {  	_ =	shalt  }
0x77: {  	_ =	shalt  }
0x78: {  	_ =	shalt  }
0x79: {  	_ =	shalt  }
0x7a: {  	_ =	shalt  }
0x7b: {  	_ =	shalt  }
0x7c: {  	_ =	shalt  }
0x7d: {  	_ =	shalt  }
0x7e: {  	_ =	shalt  }
0x7f: {  	_ =	shalt  }
0x80: {  	_ =	shalt  }
0x81: {  	_ =	shalt  }
0x82: {  	_ =	shalt  }
0x83: {  	_ =	shalt  }
0x84: {  	_ =	shalt  }
0x85: {  	_ =	shalt  }
0x86: {  	_ =	shalt  }
0x87: {  	_ =	shalt  }
.Lfunc_end0:
.L_simem_size_0:
called_computation_lowered:
.L_overlay_start_0:
0x88: {  	s2 =	sld [smem:$0x3FD9]  }
0x89: {  	s3 =	sld [smem:$0x3FFE];
	_ =	sdelay $0x1  }
0x8a: {  	s1 =	srdreg.scid  }
0x8b: {  	s0 =	sand.u32 $0x1, s1  }
0x8c: {  	s17 =	sshll.u32 s0, $0xA;
	s2 =	sadd.s32 s3, s2  }
0x8d: {  	s2 =	sadd.s32 s2, s17  }
0x8e: {  	[smem:$0x3FC1] =	sst s2  }
0x8f: {  	_ = 	snop  }
0x90: {  	s2 =	sld [smem:$0x3FD0];
	(tm) =	ssettm $0x1  }
0x91: {  	s18 =	sld [smem:$0x3FFB];
	_ =	sdelay $0x3  }
0x92: {  	_ =	strace s18  }
0x93: {  	s3 =	sld [smem:$0x3FFC];
	_ =	sdelay $0x3  }
0x94: {  	_ =	strace s3  }
0x95: {  	s3 =	sld [smem:$0x3FFD];
	_ =	sdelay $0x3  }
0x96: {  	_ =	strace s3  }
0x97: {  	_ =	strace $0x8FFFFFFF  }
0x98: {  	s19 =	sld [smem:$0x3FDB];
	_ =	sdelay $0x1  }
0x99: {  	s4 =	simm.s32 $_scs_section_size  }
0x9a: {  	s5 =	simm.s32 $_size__tile_overlayer_lowered;
	s6 =	simm.s32 $_tile_overlayer_lowered  }
0x9b: {  	s22 =	simm.s32 $0x1BFF;
	s21 =	sshll.u32 s6, $0x1;
	s3 =	sadd.s32 s4, s19  }
0x9c: {  	s7 =	simm.s32 $0x0;
	s20 =	sshll.u32 s5, $0x1;
	s5 =	sadd.s32 s21, s3  }
0x9d: {  	[timem:s7], [sflag:s22] =	dma.local [hbm:s5], s20  }
0x9e: {  	_ =	swait.ge [sflag:s22], s20  }
0x9f: {  	s4 =	ssub.s32 $0x0, s20;
	[sflag:s22] =	ssyncset.done $0x0  }
0xa0: {  	[sflag:s22] =	ssyncadd.s32 s4;
	_ =	sdelay $0x1  }
0xa1: {  	s23 =	simm.s32 $0x1B8B  }
0xa2: {  	_ =	swait.ge [sflag:s23], $0x1  }
0xa3: {  	[sflag:s23] =	ssyncset.done $0x0  }
0xa4: {  	s25 =	simm.s32 $0x1B8E;
	s24 =	sld [smem:$0x3FFE];
	[sflag:s23] =	ssyncadd.s32 $0xFFFFFFFF  }
0xa5: {  	s26 =	simm.s32 $execute0_lowered;
	[smem:$0x3FD2] =	sst s25  }
0xa6: {  	s5 =	sshll.u32 s26, $0x1;
	_ =	strace $0x80000046;
	[dreg:$0x1] =	wrdreg $0xFFFFFFFF  }
0xa7: {  	s28 =	simm.s32 $_size_execute0_lowered;
	s3 =	sadd.s32 s3, s5;
	[dreg:$0x0] =	wrdreg $0x0  }
0xa8: {  	s5 =	sshll.u32 s28, $0x1;
	[dreg:$0x2] =	wrdreg s3  }
0xa9: {  	[dreg:$0x3] =	wrdreg s5  }
0xaa: {  	[dreg:$0x4] =	wrdreg $0xC0  }
0xab: {  	_ =	task [dreg:s7], $0x5FFFF  }
0xac: {  	[dreg:$0x1] =	wrdreg $0xFFFFFFFF  }
0xad: {  	[dreg:$0x0] =	wrdreg $0x60  }
0xae: {  	[dreg:$0x2] =	wrdreg s24  }
0xaf: {  	[dreg:$0x3] =	wrdreg s2  }
0xb0: {  	[dreg:$0x4] =	wrdreg $0x0  }
0xb1: {  	[dreg:$0x5] =	wrdreg $0x9  }
0xb2: {  	_ =	task.clear_ibuf [dreg:s7], $0x6FFFF;
	_ =	strace $0x90000046  }
0xb3: {  	s29 =	simm.s32 $0x9;
	_ =	strace $0x80000048  }
0xb4: {  	_ =	swait.ge [sflag:s29], $0x1  }
0xb5: {  	[sflag:s29] =	ssyncadd.s32 $0xFFFFFFFF  }
0xb6: {  	_ =	strace $0x90000048  }
0xb7: {  	_ =	sfence  }
0xb8: {  	s30 =	sld [smem:$0x0];
	_ =	sdelay $0x2  }
0xb9: {  	s31 =	sshll.u32 s1, $0xD;
	s1 =	sshrl.u32 s1, $0x2  }
0xba: {  	s3 =	sand.u32 $0x4000, s31;
	s1 =	sadd.s32 s1, s30  }
0xbb: {  	s0 =	sor.u32 s3, s0;
	s1 =	sshll.u32 s1, $0x11  }
0xbc: {  	s0 =	sor.u32 s1, s0  }
0xbd: {  	s0 =	sadd.s32 $0x8F2B, s0  }
0xbe: {  	[sflag:s0] =	ssyncadd.remote.s32 $0x1  }
0xbf: {  	_ =	sfence.sel $0xFFFF  }
0xc0: {  	[dreg:$0x0] =	wrdreg $0xFFFFFFFF;
	(pc) =	sbr.abs _section_cstart, $3  }
0xc1: {  	[dreg:$0x1] =	wrdreg $0xFFFFFFFF  }
0xc2: {  	_ =	task.clear_ibuf [dreg:s7], $0x2FFFF;
	_ =	strace $0x9FFFFFFF  }
0xc3: {  	(tm) =	ssettm $0x7FFFFFFF  }
tec
execute0_lowered:
.L_overlay_start_1:
0x0: {  	(tag) =	ssettag $0x1  }
0x1: {  	s4 =	rddreg [dreg:$0x0]  }
0x2: {  	s5 =	rddreg [dreg:$0x1]  }
0x3: {  	s0 =	srdreg.scid;
	s2 =	rddreg [dreg:$0x2]  }
0x4: {  	s1 =	rddreg [dreg:$0x3];
	s6 =	sand.u32 $0x1, s0  }
0x5: {  	s0 =	stileid.u32;
	s7 =	smul.u32 $0x27800, s6  }
0x6: {  	s3 =	simm.s32 $0x0;
	s10 =	simm.s32 $0x280;
	s8 =	smul.u32 $0x2780, s0  }
0x7: {  	s11 =	simm.s32 $0x80;
	s12 =	simm.s32 $0x300;
	s9 =	smul.u32 $0x280, s0  }
0x8: {  	[smem:$0x7FF] =	sst s3;
	s30 =	smul.u32 $0x2800, s6;
	s6 =	ssub.s32 $0x2, s6  }
0x9: {  	s13 =	simm.s32 $0x0;
	_ =	strace $0x80000047;
	s31 =	sshrl.u32 s6, $0x1  }
0xa: {  	s7 =	sadd.s32 s8, s7;
	s8 =	sadd.s32 s9, s30;
	s6 =	ssub.s32 s6, s31  }
0xb: {  	s7 =	sshrl.u32 s7, $0x3;
	s8 =	sshrl.u32 s8, $0x3;
	s6 =	smax.u32 s6, $0x1  }
0xc: {  	s7 =	sadd.s32 s7, s4;
	s4 =	sadd.s32 s9, s2;
	s5 =	sadd.s32 s5, s8  }
0xd: {  	v0 =	vimm.f32 $0.0e+00;
	v1 =	vimm.f32 $1.000000000e+00;
	s8 =	simm.s32 $0x380;
	s9 =	simm.s32 $0x1;
	s7 =	sadd.s32 $0xB400, s7  }
.LBB2_1:
0xe: {  	[tilespmem:$0x380] =	vst v0  }
0xf: {  	[tilespmem:$0x390] =	vst v0  }
0x10: {  	[tilespmem:$0x3A0] =	vst v0  }
0x11: {  	[tilespmem:$0x3B0] =	vst v0  }
0x12: {  	[tilespmem:$0x3C0] =	vst v0  }
0x13: {  	[tilespmem:$0x3D0] =	vst v0  }
0x14: {  	[tilespmem:$0x3E0] =	vst v0  }
0x15: {  	[tilespmem:$0x3F0] =	vst v0  }
0x16: {  	[tilespmem:$0x400] =	vst v0  }
0x17: {  	[tilespmem:$0x410] =	vst v0  }
0x18: {  	[tilespmem:$0x420] =	vst v0  }
0x19: {  	[tilespmem:$0x430] =	vst v0  }
0x1a: {  	[tilespmem:$0x440] =	vst v0  }
0x1b: {  	[tilespmem:$0x450] =	vst v0  }
0x1c: {  	[tilespmem:$0x460] =	vst v0  }
0x1d: {  	[tilespmem:$0x470] =	vst v0  }
0x1e: {  	[tilespmem:$0x480] =	vst v0  }
0x1f: {  	[tilespmem:$0x490] =	vst v0  }
0x20: {  	[tilespmem:$0x4A0] =	vst v0  }
0x21: {  	[tilespmem:$0x4B0] =	vst v0  }
0x22: {  	[tilespmem:$0x4C0] =	vst v0  }
0x23: {  	[tilespmem:$0x4D0] =	vst v0  }
0x24: {  	[tilespmem:$0x4E0] =	vst v0  }
0x25: {  	[tilespmem:$0x4F0] =	vst v0  }
0x26: {  	[tilespmem:$0x500] =	vst v0  }
0x27: {  	[tilespmem:$0x510] =	vst v0  }
0x28: {  	[tilespmem:$0x520] =	vst v0  }
0x29: {  	[tilespmem:$0x530] =	vst v0  }
0x2a: {  	[tilespmem:$0x540] =	vst v0  }
0x2b: {  	[tilespmem:$0x550] =	vst v0  }
0x2c: {  	[tilespmem:$0x560] =	vst v0  }
0x2d: {  	[tilespmem:$0x570] =	vst v0  }
0x2e: {  	[tilespmem:$0x580] =	vst v0  }
0x2f: {  	[tilespmem:$0x590] =	vst v0  }
0x30: {  	[tilespmem:$0x5A0] =	vst v0  }
0x31: {  	[tilespmem:$0x5B0] =	vst v0  }
0x32: {  	[tilespmem:$0x5C0] =	vst v0  }
0x33: {  	[tilespmem:$0x5D0] =	vst v0  }
0x34: {  	[tilespmem:$0x5E0] =	vst v0  }
0x35: {  	[tilespmem:$0x5F0] =	vst v0  }
0x36: {  	[tilespmem:$0x300] =	vst v1  }
0x37: {  	[tilespmem:$0x310] =	vst v1  }
0x38: {  	[tilespmem:$0x320] =	vst v1  }
0x39: {  	[tilespmem:$0x330] =	vst v1  }
0x3a: {  	[tilespmem:$0x340] =	vst v1  }
0x3b: {  	[tilespmem:$0x350] =	vst v1  }
0x3c: {  	[tilespmem:$0x360] =	vst v1  }
0x3d: {  	[tilespmem:$0x370] =	vst v1  }
0x3e: {  	[spmem:s4] =	stream.linear.scatter [tilespmem:s8], [sflag:$0x1], $0x280, $0x38;
	[tilespmem:$0x600] =	vst v63  }
0x3f: {  	_ =	swait.ge [sflag:s9], $0x280  }
0x40: {  	[sflag:s9] =	ssyncset.done $0x0  }
0x41: {  	[sflag:s9] =	ssyncadd.s32 $0xFFFFFD80  }
0x42: {  	s14 =	sadd.s32 $0x0, s7;
	[bflag:$0x0] =	sbarrier.arrive $0xFFFF  }
0x43: {  	[tilespmem:s10], [sflag:$0x1] =	stream.linear.gather [hbm4b:s14+s3], $0x80, $0x38;
	[tilespmem:$0x600] =	vst v63  }
0x44: {  	_ =	swait.ge [sflag:s9], $0x80  }
0x45: {  	[sflag:s9] =	ssyncset.done $0x0  }
0x46: {  	[sflag:s9] =	ssyncadd.s32 $0xFFFFFF80  }
0x47: {  	[spmem:s2] =	stream.indirect.scatter.add.f32 [tilespmem:s12], [sflag:$0x1], $0x1, s10, s11, $0xb8;
	[tilespmem:$0x600] =	vst v63  }
0x48: {  	_ =	swait.ge [sflag:s9], $0x80  }
0x49: {  	s15 =	simm.s32 $0x20;
	s14 =	simm.s32 $0x10;
	[sflag:s9] =	ssyncset.done $0x0  }
.LBB2_2:
0x4a: {  	s16 =	sadd.s32 s14, s7  }
0x4b: {  	[sflag:s9] =	ssyncadd.s32 $0xFFFFFF80;
	s14 =	smov.u32 s15;
	s17 =	sadd.s32 $0x10, s15  }
0x4c: {  	[tilespmem:s10], [sflag:$0x1] =	stream.linear.gather [hbm4b:s16+s3], $0x80, $0x38;
	[tilespmem:$0x600] =	vst v63  }
0x4d: {  	p0 =	sne.s32 s15, $0x4E0;
	_ =	swait.ge [sflag:s9], $0x80  }
.Ltmp0:
0x4e: {  	[sflag:s9] =	ssyncset.done $0x0;
	(pc) =	sbr.rel @p0 .LBB2_2-.Ltmp0, $4  }
0x4f: {  	[sflag:s9] =	ssyncadd.s32 $0xFFFFFF80  }
0x50: {  	[spmem:s2] =	stream.indirect.scatter.add.f32 [tilespmem:s12], [sflag:$0x1], $0x1, s10, s11, $0xb8;
	[tilespmem:$0x600] =	vst v63  }
0x51: {  	_ =	swait.ge [sflag:s9], $0x80  }
0x52: {  	s15 =	smov.u32 s17;
	[sflag:s9] =	ssyncset.done $0x0  }
0x53: {  	s14 =	sadd.s32 s14, s7;
	[sflag:s9] =	ssyncadd.s32 $0xFFFFFF80  }
0x54: {  	[tilespmem:s10], [sflag:$0x1] =	stream.linear.gather [hbm4b:s14+s3], $0x80, $0x38;
	[tilespmem:$0x600] =	vst v63  }
0x55: {  	_ =	swait.ge [sflag:s9], $0x80  }
0x56: {  	[sflag:s9] =	ssyncset.done $0x0  }
0x57: {  	[sflag:s9] =	ssyncadd.s32 $0xFFFFFF80  }
0x58: {  	[spmem:s2] =	stream.indirect.scatter.add.f32 [tilespmem:s12], [sflag:$0x1], $0x1, s10, s11, $0xb8;
	[tilespmem:$0x600] =	vst v63  }
0x59: {  	_ =	swait.ge [sflag:s9], $0x80  }
0x5a: {  	[sflag:s9] =	ssyncset.done $0x0  }
0x5b: {  	[sflag:s9] =	ssyncadd.s32 $0xFFFFFF80  }
0x5c: {  	[bflag:$0x0] =	sbarrier.arrive $0xFFFF  }
0x5d: {  	[tilespmem:s8], [sflag:$0x1] =	stream.linear.gather [spmem:s4], $0x280, $0x38;
	[tilespmem:$0x600] =	vst v63  }
0x5e: {  	s13 =	sadd.s32 $0x1, s13;
	_ =	swait.ge [sflag:s9], $0x280  }
0x5f: {  	p0 =	sne.s32 s13, s6;
	[sflag:s9] =	ssyncset.done $0x0  }
.Ltmp1:
0x60: {  	[sflag:s9] =	ssyncadd.s32 $0xFFFFFD80;
	(pc) =	sbr.rel @p0 .LBB2_1-.Ltmp1, $4  }
0x61: {  	[hbm4b:s5+s3] =	stream.linear.scatter [tilespmem:s8], [sflag:$0x1], $0x280, $0x38;
	[tilespmem:$0x600] =	vst v63  }
0x62: {  	_ =	swait.ge [sflag:s9], $0x280  }
0x63: {  	[sflag:s9] =	ssyncset.done $0x0  }
0x64: {  	[sflag:s9] =	ssyncadd.s32 $0xFFFFFD80  }
0x65: {  	_ =	sfence.sel $0x180000  }
0x66: {  	[bflag:$0x0] =	sbarrier.arrive $0xFFFF  }
0x67: {  	p0 =	sne.s32 s0, $0x0;
	_ =	strace $0x90000047  }
0x68: {  	s0 =	sadd.s32 @!p0 $0x100000, s1;
	[bflag:$0x2] =	sbarrier.arrive $0xFFFF  }
0x69: {  	[sflag:s0] =	ssyncadd.tile.s32 @!p0 $0x1;
	_ =	shalt  }
.Lfunc_end2:
_tile_overlayer_lowered:
.L_overlay_start_2:
0x6a: {  	(tag) =	ssettag $0x2  }
0x6b: {  	s0 =	rddreg [dreg:$0x0];
	s2 =	stileid.u32  }
0x6c: {  	s1 =	rddreg [dreg:$0x1];
	p0 =	sne.s32 s2, $0x0  }
0x6d: {  	s3 =	rddreg [dreg:$0x2];
	[bflag:$0x3] =	sbarrier.arrive $0xFFFF;
	s2 =	simm.s32 @!p0 $0x1C01  }
0x6e: {  	[timem:s3], [sflag:s2] =	dma.local @!p0 [hbm:s0], s1  }
0x6f: {  	s0 =	simm.s32 @!p0 $0x1  }
0x70: {  	_ =	swait.ge @!p0 [sflag:s0], s1  }
0x71: {  	s1 =	ssub.s32 @!p0 $0x0, s1;
	[sflag:s0] =	ssyncset.done @!p0 $0x0  }
0x72: {  	[sflag:s0] =	ssyncadd.s32 @!p0 s1  }
0x73: {  	[bflag:$0x3] =	sbarrier.arrive $0xFFFF  }
0x74: {  	_ =	shalt  }

// kernel: kernel.9.cloned.1.call-start
scs
__scs_entry_jumppad:
0x0: {  	(pc) =	sbr.rel $0x88, $3  }
0x1: {  	(tag) =	ssettag $0x0;
	lr =	simm.s32 $0x1  }
0x2: {  	[smem:$0x3F9A] =	sst lr;
	_ =	strace $0xD0000000  }
0x3: {  	_ = 	snop  }
0x4: {  	_ = 	snop  }
0x5: {  	_ = 	snop  }
0x6: {  	_ = 	snop  }
0x7: {  	_ = 	snop  }
__scs_overlays_trampoline_lowered:
0x8: {  	[smem:$0x3FA9] =	sst s0  }
0x9: {  	[smem:$0x3FAA] =	sst s1  }
0xa: {  	[smem:$0x3FAB] =	sst s2  }
0xb: {  	[smem:$0x3FAC] =	sst s3  }
0xc: {  	[smem:$0x3FAD] =	sst s4  }
0xd: {  	[smem:$0x3FAE] =	sst s5  }
0xe: {  	[smem:$0x3FAF] =	sst s6  }
0xf: {  	[smem:$0x3FB0] =	sst s7  }
0x10: {  	[smem:$0x3FB1] =	sst s8  }
0x11: {  	[smem:$0x3FB2] =	sst s9;
	s0 =	simm.s32 @!p0 $0x0  }
0x12: {  	s1 =	sld [smem:$0x3F98];
	s0 =	simm.s32 @p0 $0x1  }
0x13: {  	[smem:$0x3FB3] =	sst s0;
	s0 =	simm.s32 @!p1 $0x0  }
0x14: {  	s2 =	sld [smem:$0x3F97];
	s0 =	simm.s32 @p1 $0x1  }
0x15: {  	[smem:$0x3FB4] =	sst s0;
	s0 =	simm.s32 @!p2 $0x0  }
0x16: {  	s3 =	sld [smem:$0x3FDB];
	s0 =	simm.s32 @p2 $0x1  }
0x17: {  	s4 =	simm.s32 $0x1BF5;
	[smem:$0x3FB6] =	sst s0  }
0x18: {  	s0 =	sld [smem:$0x3F99];
	_ =	swait.ge [sflag:s4], $0x0  }
0x19: {  	s7 =	sld [smem:$0x3F9A]  }
0x1a: {  	s8 =	sadd.s32 $0xFFFFE003, lr  }
0x1b: {  	s9 =	sadd.s32 $0xFFFFFEF7, lr;
	s5 =	simm.s32 $0xFFFFFFFF;
	p2 =	slt.u32 s8, $0xFFFFF086  }
0x1c: {  	p1 =	slt.u32 s9, $0xF7A;
	s5 =	simm.s32 @!p2 $0x0  }
0x1d: {  	s5 =	simm.s32 @p1 $0x1;
	p0 =	seq.s32 s7, s2  }
0x1e: {  	s7 =	smul.u32 @!p0 $0xF7A, s2;
	p2 =	seq.s32 @!p0 s5, $0x0  }
0x1f: {  	s9 =	smul.u32 $0xF7A, s1;
	s8 =	simm.s32 @!p0 $0x1BF5;
	p2 =	por !p2, p0  }
0x20: {  	[sflag:s8] =	ssyncset.s32 @!p0 $0xFFFFF086;
	s6 =	sadd.s32 @!p0 s3, s7;
	s7 =	simm.s32 @!p0 $0x108  }
0x21: {  	s3 =	sadd.s32 s3, s9;
	s6 =	sadd.s32 @!p0 $0x88, s6;
	s7 =	simm.s32 @p2 $0x1082  }
0x22: {  	[simem:s7], [sflag:s8] =	dma.local @!p0 [hbm:s6], $0xF7A  }
0x23: {  	s9 =	sor.u32 $0xD0000000, s2;
	s6 =	simm.s32 $0x108;
	_ =	swait.ge @!p0 [sflag:s8], $0x0  }
0x24: {  	s3 =	sadd.s32 $0x88, s3;
	s6 =	simm.s32 @!p1 $0x1082;
	[sflag:s4] =	ssyncset.s32 $0xFFFFF086  }
0x25: {  	[simem:s6], [sflag:s4] =	dma.local [hbm:s3], $0xF7A  }
0x26: {  	[smem:$0x3F9A] =	sst s1;
	(tag) =	ssettag s2;
	_ =	strace s9  }
0x27: {  	s1 =	sld [smem:$0x3FAA]  }
0x28: {  	s2 =	sld [smem:$0x3FAB]  }
0x29: {  	s4 =	sld [smem:$0x3FAD]  }
0x2a: {  	p0 =	seq.s32 s5, $0x0;
	s5 =	sld [smem:$0x3FAE]  }
0x2b: {  	s6 =	sld [smem:$0x3FAF]  }
0x2c: {  	s7 =	sld [smem:$0x3FB0]  }
0x2d: {  	s3 =	simm.s32 $0x108;
	s8 =	sld [smem:$0x3FB1]  }
0x2e: {  	s3 =	simm.s32 @!p0 $0x1082;
	s9 =	sld [smem:$0x3FB2]  }
0x2f: {  	lr =	sadd.s32 s0, s3;
	s0 =	sld [smem:$0x3FA9]  }
0x30: {  	s3 =	sld [smem:$0x3FAC]  }
0x31: {  	[smem:$0x3FB5] =	sst s10  }
0x32: {  	s10 =	sld [smem:$0x3FB3];
	_ =	sdelay $0x3  }
0x33: {  	p0 =	seq.s32 s10, $0x1;
	s10 =	sld [smem:$0x3FB5];
	_ =	sdelay $0x3  }
0x34: {  	[smem:$0x3FB5] =	sst s10  }
0x35: {  	s10 =	sld [smem:$0x3FB4];
	_ =	sdelay $0x3  }
0x36: {  	p1 =	seq.s32 s10, $0x1;
	s10 =	sld [smem:$0x3FB5];
	_ =	sdelay $0x3  }
0x37: {  	[smem:$0x3FB5] =	sst s10  }
0x38: {  	s10 =	sld [smem:$0x3FB6]  }
0x39: {  	_ = 	snop;
	(pc) =	sbr.ind lr, $3  }
0x3a: {  	_ = 	snop  }
0x3b: {  	_ = 	snop  }
0x3c: {  	p2 =	seq.s32 s10, $0x1;
	s10 =	sld [smem:$0x3FB5]  }
0x3d: {  	_ =	shalt  }
0x3e: {  	_ =	shalt  }
0x3f: {  	_ =	shalt  }
0x40: {  	_ =	shalt  }
0x41: {  	_ =	shalt  }
0x42: {  	_ =	shalt  }
0x43: {  	_ =	shalt  }
0x44: {  	_ =	shalt  }
0x45: {  	_ =	shalt  }
0x46: {  	_ =	shalt  }
0x47: {  	_ =	shalt  }
0x48: {  	_ =	shalt  }
0x49: {  	_ =	shalt  }
0x4a: {  	_ =	shalt  }
0x4b: {  	_ =	shalt  }
0x4c: {  	_ =	shalt  }
0x4d: {  	_ =	shalt  }
0x4e: {  	_ =	shalt  }
0x4f: {  	_ =	shalt  }
0x50: {  	_ =	shalt  }
0x51: {  	_ =	shalt  }
0x52: {  	_ =	shalt  }
0x53: {  	_ =	shalt  }
0x54: {  	_ =	shalt  }
0x55: {  	_ =	shalt  }
0x56: {  	_ =	shalt  }
0x57: {  	_ =	shalt  }
0x58: {  	_ =	shalt  }
0x59: {  	_ =	shalt  }
0x5a: {  	_ =	shalt  }
0x5b: {  	_ =	shalt  }
0x5c: {  	_ =	shalt  }
0x5d: {  	_ =	shalt  }
0x5e: {  	_ =	shalt  }
0x5f: {  	_ =	shalt  }
0x60: {  	_ =	shalt  }
0x61: {  	_ =	shalt  }
0x62: {  	_ =	shalt  }
0x63: {  	_ =	shalt  }
0x64: {  	_ =	shalt  }
0x65: {  	_ =	shalt  }
0x66: {  	_ =	shalt  }
0x67: {  	_ =	shalt  }
0x68: {  	_ =	shalt  }
0x69: {  	_ =	shalt  }
0x6a: {  	_ =	shalt  }
0x6b: {  	_ =	shalt  }
0x6c: {  	_ =	shalt  }
0x6d: {  	_ =	shalt  }
0x6e: {  	_ =	shalt  }
0x6f: {  	_ =	shalt  }
0x70: {  	_ =	shalt  }
0x71: {  	_ =	shalt  }
0x72: {  	_ =	shalt  }
0x73: {  	_ =	shalt  }
0x74: {  	_ =	shalt  }
0x75: {  	_ =	shalt  }
0x76: {  	_ =	shalt  }
0x77: {  	_ =	shalt  }
0x78: {  	_ =	shalt  }
0x79: {  	_ =	shalt  }
0x7a: {  	_ =	shalt  }
0x7b: {  	_ =	shalt  }
0x7c: {  	_ =	shalt  }
0x7d: {  	_ =	shalt  }
0x7e: {  	_ =	shalt  }
0x7f: {  	_ =	shalt  }
0x80: {  	_ =	shalt  }
0x81: {  	_ =	shalt  }
0x82: {  	_ =	shalt  }
0x83: {  	_ =	shalt  }
0x84: {  	_ =	shalt  }
0x85: {  	_ =	shalt  }
0x86: {  	_ =	shalt  }
0x87: {  	_ =	shalt  }
.Lfunc_end0:
.L_simem_size_0:
called_computation.1_lowered:
.L_overlay_start_0:
0x88: {  	s2 =	sld [smem:$0x3FD9]  }
0x89: {  	s3 =	sld [smem:$0x3FFE];
	_ =	sdelay $0x1  }
0x8a: {  	s1 =	srdreg.scid  }
0x8b: {  	s0 =	sand.u32 $0x1, s1  }
0x8c: {  	s17 =	sshll.u32 s0, $0xA;
	s2 =	sadd.s32 s3, s2  }
0x8d: {  	s2 =	sadd.s32 s2, s17  }
0x8e: {  	[smem:$0x3FC1] =	sst s2  }
0x8f: {  	_ = 	snop  }
0x90: {  	s2 =	sld [smem:$0x3FD0];
	(tm) =	ssettm $0x1  }
0x91: {  	s18 =	sld [smem:$0x3FFB];
	_ =	sdelay $0x3  }
0x92: {  	_ =	strace s18  }
0x93: {  	s3 =	sld [smem:$0x3FFC];
	_ =	sdelay $0x3  }
0x94: {  	_ =	strace s3  }
0x95: {  	s3 =	sld [smem:$0x3FFD];
	_ =	sdelay $0x3  }
0x96: {  	_ =	strace s3  }
0x97: {  	_ =	strace $0x8FFFFFFF  }
0x98: {  	s19 =	sld [smem:$0x3FDB];
	_ =	sdelay $0x1  }
0x99: {  	s4 =	simm.s32 $_scs_section_size  }
0x9a: {  	s5 =	simm.s32 $_size__tile_overlayer_lowered;
	s6 =	simm.s32 $_tile_overlayer_lowered  }
0x9b: {  	s22 =	simm.s32 $0x1BFF;
	s21 =	sshll.u32 s6, $0x1;
	s3 =	sadd.s32 s4, s19  }
0x9c: {  	s7 =	simm.s32 $0x0;
	s20 =	sshll.u32 s5, $0x1;
	s5 =	sadd.s32 s21, s3  }
0x9d: {  	[timem:s7], [sflag:s22] =	dma.local [hbm:s5], s20  }
0x9e: {  	_ =	swait.ge [sflag:s22], s20  }
0x9f: {  	s4 =	ssub.s32 $0x0, s20;
	[sflag:s22] =	ssyncset.done $0x0  }
0xa0: {  	[sflag:s22] =	ssyncadd.s32 s4;
	_ =	sdelay $0x1  }
0xa1: {  	s23 =	simm.s32 $0x1B8B  }
0xa2: {  	_ =	swait.ge [sflag:s23], $0x1  }
0xa3: {  	[sflag:s23] =	ssyncset.done $0x0  }
0xa4: {  	s25 =	simm.s32 $0x1B8E;
	s24 =	sld [smem:$0x3FFE];
	[sflag:s23] =	ssyncadd.s32 $0xFFFFFFFF  }
0xa5: {  	s26 =	simm.s32 $execute0_lowered;
	[smem:$0x3FD2] =	sst s25  }
0xa6: {  	s5 =	sshll.u32 s26, $0x1;
	_ =	strace $0x80000049;
	[dreg:$0x1] =	wrdreg $0xFFFFFFFF  }
0xa7: {  	s28 =	simm.s32 $_size_execute0_lowered;
	s3 =	sadd.s32 s3, s5;
	[dreg:$0x0] =	wrdreg $0x0  }
0xa8: {  	s5 =	sshll.u32 s28, $0x1;
	[dreg:$0x2] =	wrdreg s3  }
0xa9: {  	[dreg:$0x3] =	wrdreg s5  }
0xaa: {  	[dreg:$0x4] =	wrdreg $0xC0  }
0xab: {  	_ =	task [dreg:s7], $0x5FFFF  }
0xac: {  	[dreg:$0x1] =	wrdreg $0xFFFFFFFF  }
0xad: {  	[dreg:$0x0] =	wrdreg $0x60  }
0xae: {  	[dreg:$0x2] =	wrdreg s24  }
0xaf: {  	[dreg:$0x3] =	wrdreg s2  }
0xb0: {  	[dreg:$0x4] =	wrdreg $0x0  }
0xb1: {  	[dreg:$0x5] =	wrdreg $0x50000  }
0xb2: {  	[dreg:$0x6] =	wrdreg $0x9  }
0xb3: {  	_ =	task.clear_ibuf [dreg:s7], $0x7FFFF;
	_ =	strace $0x90000049  }
0xb4: {  	s29 =	simm.s32 $0x9;
	_ =	strace $0x8000004B  }
0xb5: {  	_ =	swait.ge [sflag:s29], $0x1  }
0xb6: {  	[sflag:s29] =	ssyncadd.s32 $0xFFFFFFFF  }
0xb7: {  	_ =	strace $0x9000004B  }
0xb8: {  	_ =	sfence  }
0xb9: {  	s30 =	sld [smem:$0x0];
	_ =	sdelay $0x2  }
0xba: {  	s31 =	sshll.u32 s1, $0xD;
	s1 =	sshrl.u32 s1, $0x2  }
0xbb: {  	s3 =	sand.u32 $0x4000, s31;
	s1 =	sadd.s32 s1, s30  }
0xbc: {  	s0 =	sor.u32 s3, s0;
	s1 =	sshll.u32 s1, $0x11  }
0xbd: {  	s0 =	sor.u32 s1, s0  }
0xbe: {  	s0 =	sadd.s32 $0x8F2B, s0  }
0xbf: {  	[sflag:s0] =	ssyncadd.remote.s32 $0x1  }
0xc0: {  	_ =	sfence.sel $0xFFFF  }
0xc1: {  	[dreg:$0x0] =	wrdreg $0xFFFFFFFF;
	(pc) =	sbr.abs _section_cstart, $3  }
0xc2: {  	[dreg:$0x1] =	wrdreg $0xFFFFFFFF  }
0xc3: {  	_ =	task.clear_ibuf [dreg:s7], $0x2FFFF;
	_ =	strace $0x9FFFFFFF  }
0xc4: {  	(tm) =	ssettm $0x7FFFFFFF  }
0xc5: {  	_ =	shalt  }
tec
execute0_lowered:
.L_overlay_start_1:
0x0: {  	(tag) =	ssettag $0x1  }
0x1: {  	s1 =	rddreg [dreg:$0x0]  }
0x2: {  	s6 =	rddreg [dreg:$0x1]  }
0x3: {  	s2 =	rddreg [dreg:$0x2]  }
0x4: {  	s0 =	stileid.u32;
	s4 =	srdreg.scid  }
0x5: {  	s3 =	rddreg [dreg:$0x3];
	s18 =	simm.s32 $0x1;
	s19 =	simm.s32 $0x10100  }
0x6: {  	s20 =	simm.s32 $0x15100;
	s21 =	simm.s32 $0x17900;
	s22 =	simm.s32 $0xA000  }
0x7: {  	s23 =	simm.s32 $0xA080;
	s24 =	simm.s32 $0x80;
	s9 =	smul.u32 $0x5000, s0  }
0x8: {  	s28 =	simm.s32 $0x0;
	s5 =	sand.u32 $0x1, s4;
	s7 =	smul.u32 $0x9E0, s0  }
0x9: {  	s4 =	simm.s32 $0x0;
	s10 =	sadd.s32 $0x65400, s1;
	s8 =	smul.u32 $0x50000, s5  }
0xa: {  	[smem:$0x7FF] =	sst s4;
	s26 =	ssub.s32 $0x2, s5;
	s5 =	sadd.s32 $0x15200, s1  }
0xb: {  	_ =	strace $0x8000004A;
	s16 =	sadd.s32 s7, s1;
	s12 =	sshrl.u32 s26, $0x1  }
0xc: {  	s29 =	sshrl.u32 s9, $0x3;
	s30 =	sadd.s32 $0x2800, s9;
	s11 =	sadd.s32 s9, s8  }
0xd: {  	s14 =	ssub.s32 s26, s12;
	s6 =	sadd.s32 s6, s29;
	s31 =	sadd.s32 s8, s30  }
0xe: {  	s8 =	sadd.s32 s9, s2;
	s9 =	sadd.s32 s9, s3;
	s12 =	sadd.s32 s30, s3  }
0xf: {  	s15 =	sadd.s32 $0xB400, s16;
	s16 =	sadd.s32 $0x1600, s16;
	s26 =	simm.s32 $0xB100  }
0x10: {  	s25 =	sshrl.u32 s11, $0x3;
	s11 =	sshrl.u32 s31, $0x3;
	s14 =	smax.u32 s14, $0x1  }
0x11: {  	s1 =	sadd.s32 s25, s1;
	s7 =	sadd.s32 s10, s25;
	s10 =	sadd.s32 s10, s11  }
0x12: {  	v0 =	vimm.f32 $0.0e+00;
	s11 =	sadd.s32 s30, s2;
	s25 =	simm.s32 $0xA100;
	s13 =	sadd.s32 $0x15400, s1  }
.LBB2_1:
0x13: {  	s0 =	simm.s32 $0x1A100  }
0x14: {  	[tilespmem:s0], [sflag:$0x1] =	stream.linear.gather [hbm4b:s5+s4], $0x100, $0x38;
	[tilespmem:$0x1A200] =	vst v63  }
0x15: {  	_ =	swait.ge [sflag:s18], $0x100  }
0x16: {  	[sflag:s18] =	ssyncset.done $0x0  }
0x17: {  	[sflag:s18] =	ssyncadd.s32 $0xFFFFFF00  }
0x18: {  	[tilespmem:s19], [sflag:$0x1] =	stream.linear.gather [hbm4b:s6+s4], $0x5000, $0x38;
	[tilespmem:$0x1A200] =	vst v63  }
0x19: {  	_ =	swait.ge [sflag:s18], $0x5000  }
0x1a: {  	[sflag:s18] =	ssyncset.done $0x0  }
0x1b: {  	[sflag:s18] =	ssyncadd.s32 $0xFFFFB000  }
0x1c: {  	v1 =	vld [tilespmem:$0x1A100];
	[tilespmem:s20], [sflag:$0x1] =	stream.linear.gather [hbm4b:s7+s4], $0x2800, $0x38  }
0x1d: {  	_ =	swait.ge [sflag:s18], $0x2800  }
0x1e: {  	[sflag:s18] =	ssyncset.done $0x0  }
0x1f: {  	s1 =	simm.s32 $0x0;
	[sflag:s18] =	ssyncadd.s32 $0xFFFFD800  }
0x20: {  	v3 =	vld [tilespmem:s1+$0x15110]  }
0x21: {  	v2 =	vld [tilespmem:s1+$0x15100]  }
0x22: {  	[tilespmem:s1+$0x17900] =	vst v0  }
0x23: {  	s29 =	simm.s32 $0x80;
	[tilespmem:s1+$0x17910] =	vst v0  }
.LBB2_2:
0x24: {  	p0 =	sne.s32 s29, $0x9F80  }
.Ltmp0:
0x25: {  	s30 =	sshra.s32 s29, $0x2;
	s29 =	sadd.s32 $0x80, s29;
	v4 =	vmul.f32 v3, v1;
	(pc) =	sbr.rel @p0 .LBB2_2-.Ltmp0, $4  }
0x26: {  	[tilespmem:s30+$0x17900] =	vst v0;
	v3 =	vld [tilespmem:s30+$0x15110];
	v5 =	vmul.f32 v2, v1  }
0x27: {  	v2 =	vld [tilespmem:s30+$0x15100];
	[tilespmem:s1+$0xB110] =	vst v4  }
0x28: {  	[tilespmem:s1+$0xB100] =	vst v5;
	s1 =	smov.u32 s30  }
0x29: {  	[tilespmem:s1+$0x17910] =	vst v0  }
0x2a: {  	_ = 	snop  }
0x2b: {  	v3 =	vmul.f32 v3, v1  }
0x2c: {  	v2 =	vmul.f32 v2, v1  }
0x2d: {  	[tilespmem:s1+$0xB110] =	vst v3  }
0x2e: {  	[tilespmem:s1+$0xB100] =	vst v2  }
0x2f: {  	[spmem:s8] =	stream.linear.scatter [tilespmem:s20], [sflag:$0x1], $0x2800, $0x38;
	[tilespmem:$0x1A200] =	vst v63  }
0x30: {  	_ =	swait.ge [sflag:s18], $0x2800  }
0x31: {  	[sflag:s18] =	ssyncset.done $0x0  }
0x32: {  	[sflag:s18] =	ssyncadd.s32 $0xFFFFD800  }
0x33: {  	[spmem:s9] =	stream.linear.scatter [tilespmem:s21], [sflag:$0x1], $0x2800, $0x38;
	[tilespmem:$0x1A200] =	vst v63  }
0x34: {  	_ =	swait.ge [sflag:s18], $0x2800  }
0x35: {  	[sflag:s18] =	ssyncset.done $0x0  }
0x36: {  	s31 =	simm.s32 $0x0;
	[sflag:s18] =	ssyncadd.s32 $0xFFFFD800  }
0x37: {  	[tilespmem:s20], [sflag:$0x1] =	stream.linear.gather [hbm4b:s10+s31], $0x2800, $0x38;
	[tilespmem:$0x1A200] =	vst v63  }
0x38: {  	_ =	swait.ge [sflag:s18], $0x2800  }
0x39: {  	[sflag:s18] =	ssyncset.done $0x0  }
0x3a: {  	s1 =	simm.s32 $0x0;
	[sflag:s18] =	ssyncadd.s32 $0xFFFFD800  }
0x3b: {  	v3 =	vld [tilespmem:s1+$0x15110]  }
0x3c: {  	v2 =	vld [tilespmem:s1+$0x15100]  }
0x3d: {  	[tilespmem:s1+$0x17900] =	vst v0  }
0x3e: {  	s29 =	simm.s32 $0x80;
	[tilespmem:s1+$0x17910] =	vst v0  }
.LBB2_4:
0x3f: {  	p0 =	sne.s32 s29, $0x9F80  }
.Ltmp1:
0x40: {  	s30 =	sshra.s32 s29, $0x2;
	s29 =	sadd.s32 $0x80, s29;
	v4 =	vmul.f32 v3, v1;
	(pc) =	sbr.rel @p0 .LBB2_4-.Ltmp1, $4  }
0x41: {  	[tilespmem:s30+$0x17900] =	vst v0;
	v3 =	vld [tilespmem:s30+$0x15110];
	v5 =	vmul.f32 v2, v1  }
0x42: {  	v2 =	vld [tilespmem:s30+$0x15100];
	[tilespmem:s1+$0xD910] =	vst v4  }
0x43: {  	[tilespmem:s1+$0xD900] =	vst v5;
	s1 =	smov.u32 s30  }
0x44: {  	[tilespmem:s1+$0x17910] =	vst v0  }
0x45: {  	_ = 	snop  }
0x46: {  	v3 =	vmul.f32 v3, v1  }
0x47: {  	v1 =	vmul.f32 v2, v1  }
0x48: {  	[tilespmem:s1+$0xD910] =	vst v3  }
0x49: {  	s29 =	simm.s32 $0x1;
	[tilespmem:s1+$0xD900] =	vst v1  }
0x4a: {  	[spmem:s11] =	stream.linear.scatter [tilespmem:s20], [sflag:$0x1], $0x2800, $0x38;
	[tilespmem:$0x1A200] =	vst v63  }
0x4b: {  	_ =	swait.ge [sflag:s29], $0x2800  }
0x4c: {  	[sflag:s29] =	ssyncset.done $0x0  }
0x4d: {  	[sflag:s29] =	ssyncadd.s32 $0xFFFFD800  }
0x4e: {  	[spmem:s12] =	stream.linear.scatter [tilespmem:s21], [sflag:$0x1], $0x2800, $0x38;
	[tilespmem:$0x1A200] =	vst v63  }
0x4f: {  	_ =	swait.ge [sflag:s29], $0x2800  }
0x50: {  	[sflag:s29] =	ssyncset.done $0x0  }
0x51: {  	[sflag:s29] =	ssyncadd.s32 $0xFFFFD800  }
0x52: {  	[bflag:$0x0] =	sbarrier.arrive $0xFFFF  }
.LBB2_6:
0x53: {  	s1 =	sadd.s32 $0x0, s16  }
0x54: {  	[tilespmem:s22], [sflag:$0x1] =	stream.linear.gather [hbm4b:s1+s4], $0x80, $0x38;
	[tilespmem:$0x1A200] =	vst v63  }
0x55: {  	_ =	swait.ge [sflag:s18], $0x80  }
0x56: {  	[sflag:s18] =	ssyncset.done $0x0  }
0x57: {  	s31 =	sadd.s32 $0x0, s15;
	[sflag:s18] =	ssyncadd.s32 $0xFFFFFF80  }
0x58: {  	[tilespmem:s23], [sflag:$0x1] =	stream.linear.gather [hbm4b:s31+s4], $0x80, $0x38;
	[tilespmem:$0x1A200] =	vst v63  }
0x59: {  	_ =	swait.ge [sflag:s18], $0x80  }
0x5a: {  	[sflag:s18] =	ssyncset.done $0x0  }
0x5b: {  	[sflag:s18] =	ssyncadd.s32 $0xFFFFFF80  }
0x5c: {  	[tilespmem:s25], [sflag:$0x1] =	stream.indirect.gather [spmem:s2], $0x20, s22, s24, $0xb8;
	[tilespmem:$0x1A200] =	vst v63  }
0x5d: {  	_ =	swait.ge [sflag:s18], $0x1000  }
0x5e: {  	[sflag:s18] =	ssyncset.done $0x0  }
0x5f: {  	[sflag:s18] =	ssyncadd.s32 $0xFFFFF000  }
0x60: {  	[spmem:s3] =	stream.indirect.scatter.add.f32 [tilespmem:s25], [sflag:$0x1], $0x20, s23, s24, $0xb8;
	[tilespmem:$0x1A200] =	vst v63  }
0x61: {  	_ =	swait.ge [sflag:s18], $0x1000  }
0x62: {  	s30 =	simm.s32 $0x10;
	s1 =	simm.s32 $0x20;
	[sflag:s18] =	ssyncset.done $0x0  }
.LBB2_7:
0x63: {  	s31 =	sadd.s32 s30, s16  }
0x64: {  	[sflag:s18] =	ssyncadd.s32 $0xFFFFF000;
	s0 =	smov.u32 s1;
	s17 =	sadd.s32 $0x10, s1  }
0x65: {  	[tilespmem:s22], [sflag:$0x1] =	stream.linear.gather [hbm4b:s31+s4], $0x80, $0x38;
	[tilespmem:$0x1A200] =	vst v63  }
0x66: {  	p0 =	sne.s32 s1, $0x9D0;
	_ =	swait.ge [sflag:s18], $0x80  }
0x67: {  	[sflag:s18] =	ssyncset.done $0x0  }
0x68: {  	s1 =	sadd.s32 s30, s15;
	s30 =	smov.u32 s0;
	[sflag:s18] =	ssyncadd.s32 $0xFFFFFF80  }
0x69: {  	[tilespmem:s23], [sflag:$0x1] =	stream.linear.gather [hbm4b:s1+s4], $0x80, $0x38;
	[tilespmem:$0x1A200] =	vst v63  }
0x6a: {  	_ =	swait.ge [sflag:s18], $0x80  }
0x6b: {  	[sflag:s18] =	ssyncset.done $0x0  }
0x6c: {  	[sflag:s18] =	ssyncadd.s32 $0xFFFFFF80  }
0x6d: {  	[tilespmem:s25], [sflag:$0x1] =	stream.indirect.gather [spmem:s2], $0x20, s22, s24, $0xb8;
	[tilespmem:$0x1A200] =	vst v63  }
0x6e: {  	_ =	swait.ge [sflag:s18], $0x1000  }
.Ltmp2:
0x6f: {  	[sflag:s18] =	ssyncset.done $0x0;
	(pc) =	sbr.rel @p0 .LBB2_7-.Ltmp2, $4  }
0x70: {  	[sflag:s18] =	ssyncadd.s32 $0xFFFFF000  }
0x71: {  	[spmem:s3] =	stream.indirect.scatter.add.f32 [tilespmem:s25], [sflag:$0x1], $0x20, s23, s24, $0xb8;
	[tilespmem:$0x1A200] =	vst v63  }
0x72: {  	_ =	swait.ge [sflag:s18], $0x1000  }
0x73: {  	s1 =	smov.u32 s17;
	[sflag:s18] =	ssyncset.done $0x0  }
0x74: {  	s0 =	sadd.s32 s30, s16;
	[sflag:s18] =	ssyncadd.s32 $0xFFFFF000  }
0x75: {  	[tilespmem:s22], [sflag:$0x1] =	stream.linear.gather [hbm4b:s0+s4], $0x80, $0x38;
	[tilespmem:$0x1A200] =	vst v63  }
0x76: {  	_ =	swait.ge [sflag:s18], $0x80  }
0x77: {  	[sflag:s18] =	ssyncset.done $0x0  }
0x78: {  	s1 =	sadd.s32 s30, s15;
	[sflag:s18] =	ssyncadd.s32 $0xFFFFFF80  }
0x79: {  	[tilespmem:s23], [sflag:$0x1] =	stream.linear.gather [hbm4b:s1+s4], $0x80, $0x38;
	[tilespmem:$0x1A200] =	vst v63  }
0x7a: {  	_ =	swait.ge [sflag:s18], $0x80  }
0x7b: {  	[sflag:s18] =	ssyncset.done $0x0  }
0x7c: {  	[sflag:s18] =	ssyncadd.s32 $0xFFFFFF80  }
0x7d: {  	[tilespmem:s25], [sflag:$0x1] =	stream.indirect.gather [spmem:s2], $0x20, s22, s24, $0xb8;
	[tilespmem:$0x1A200] =	vst v63  }
0x7e: {  	_ =	swait.ge [sflag:s18], $0x1000  }
0x7f: {  	[sflag:s18] =	ssyncset.done $0x0  }
0x80: {  	[sflag:s18] =	ssyncadd.s32 $0xFFFFF000  }
0x81: {  	[spmem:s3] =	stream.indirect.scatter.add.f32 [tilespmem:s25], [sflag:$0x1], $0x20, s23, s24, $0xb8;
	[tilespmem:$0x1A200] =	vst v63  }
0x82: {  	_ =	swait.ge [sflag:s18], $0x1000  }
0x83: {  	[sflag:s18] =	ssyncset.done $0x0  }
0x84: {  	s17 =	sshll.u32 s29, $0x4;
	[sflag:s18] =	ssyncadd.s32 $0xFFFFF000  }
0x85: {  	s0 =	sand.u32 $0x3FFFFFF0, s17;
	[bflag:$0x0] =	sbarrier.arrive $0xFFFF  }
0x86: {  	v1 =	vld [tilespmem:s0+$0x1A100];
	[tilespmem:s20], [sflag:$0x1] =	stream.linear.gather [spmem:s9], $0x2800, $0x38  }
0x87: {  	_ =	swait.ge [sflag:s18], $0x2800  }
0x88: {  	[sflag:s18] =	ssyncset.done $0x0  }
0x89: {  	[sflag:s18] =	ssyncadd.s32 $0xFFFFD800  }
0x8a: {  	[tilespmem:s21], [sflag:$0x1] =	stream.linear.gather [spmem:s8], $0x2800, $0x38;
	[tilespmem:$0x1A200] =	vst v63  }
0x8b: {  	_ =	swait.ge [sflag:s18], $0x2800  }
0x8c: {  	[sflag:s18] =	ssyncset.done $0x0  }
0x8d: {  	s30 =	simm.s32 $0x0;
	[sflag:s18] =	ssyncadd.s32 $0xFFFFD800  }
0x8e: {  	v2 =	vld [tilespmem:s30+$0x15100]  }
0x8f: {  	v5 =	vld [tilespmem:s30+$0x15110]  }
0x90: {  	v6 =	vld [tilespmem:s30+$0x17900]  }
0x91: {  	v7 =	vld [tilespmem:s30+$0x17910]  }
0x92: {  	v4 =	vld [tilespmem:s30+$0x10100]  }
0x93: {  	v3 =	vld [tilespmem:s30+$0x10110];
	_ =	sdelay $0x1  }
0x94: {  	[tilespmem:s30+$0x15100] =	vst v0;
	v6 =	vadd.f32 v6, v2  }
0x95: {  	s31 =	simm.s32 $0x80;
	s1 =	simm.s32 $0x100;
	[tilespmem:s30+$0x15110] =	vst v0;
	v2 =	vld [tilespmem:s30+$0xB100];
	v5 =	vadd.f32 v7, v5  }
.LBB2_9:
0x96: {  	p0 =	sne.s32 s1, $0x9F80;
	s0 =	sshra.s32 s31, $0x2;
	v4 =	vmul.f32 v4, v6;
	v6 =	vld [tilespmem:s30+$0xB110];
	s31 =	smov.u32 s1  }
0x97: {  	v7 =	vld [tilespmem:s0+$0x15100];
	[tilespmem:s0+$0x15100] =	vst v0;
	v3 =	vmul.f32 v3, v5  }
0x98: {  	v5 =	vld [tilespmem:s0+$0x15110];
	[tilespmem:s30+$0x17900] =	vst v4;
	v4 =	vmul.f32 v4, v1  }
0x99: {  	v8 =	vld [tilespmem:s0+$0x17900];
	[tilespmem:s30+$0x17910] =	vst v3;
	v3 =	vmul.f32 v3, v1  }
0x9a: {  	v9 =	vld [tilespmem:s0+$0x17910];
	[tilespmem:s0+$0x15110] =	vst v0;
	v2 =	vadd.f32 v2, v4  }
.Ltmp3:
0x9b: {  	v4 =	vld [tilespmem:s0+$0x10100];
	v6 =	vadd.f32 v6, v3;
	(pc) =	sbr.rel @p0 .LBB2_9-.Ltmp3, $4  }
0x9c: {  	v3 =	vld [tilespmem:s0+$0x10110];
	[tilespmem:s30+$0xB100] =	vst v2  }
0x9d: {  	[tilespmem:s30+$0xB110] =	vst v6;
	s30 =	smov.u32 s0  }
0x9e: {  	v6 =	vadd.f32 v8, v7  }
0x9f: {  	s1 =	sadd.s32 $0x80, s1;
	v2 =	vld [tilespmem:s30+$0xB100];
	v5 =	vadd.f32 v9, v5  }
0xa0: {  	s0 =	sshra.s32 s31, $0x2;
	v7 =	vld [tilespmem:s30+$0xB110];
	v4 =	vmul.f32 v4, v6  }
0xa1: {  	v6 =	vld [tilespmem:s0+$0x15100];
	[tilespmem:s0+$0x15100] =	vst v0;
	v3 =	vmul.f32 v3, v5  }
0xa2: {  	v8 =	vld [tilespmem:s0+$0x15110];
	[tilespmem:s30+$0x17900] =	vst v4  }
0xa3: {  	v4 =	vmul.f32 v4, v1;
	v5 =	vld [tilespmem:s0+$0x17900];
	[tilespmem:s30+$0x17910] =	vst v3  }
0xa4: {  	v3 =	vmul.f32 v3, v1;
	v9 =	vld [tilespmem:s0+$0x17910]  }
0xa5: {  	v2 =	vadd.f32 v2, v4;
	v4 =	vld [tilespmem:s0+$0x10100]  }
0xa6: {  	[tilespmem:s0+$0x15110] =	vst v0;
	v3 =	vadd.f32 v7, v3;
	v7 =	vld [tilespmem:s0+$0x10110]  }
0xa7: {  	[tilespmem:s30+$0xB100] =	vst v2  }
0xa8: {  	[tilespmem:s30+$0xB110] =	vst v3;
	v2 =	vadd.f32 v5, v6  }
0xa9: {  	v3 =	vld [tilespmem:s0+$0xB100];
	v5 =	vadd.f32 v9, v8  }
0xaa: {  	v2 =	vmul.f32 v4, v2;
	v4 =	vld [tilespmem:s0+$0xB110]  }
0xab: {  	v5 =	vmul.f32 v7, v5  }
0xac: {  	v6 =	vmul.f32 v2, v1  }
0xad: {  	v7 =	vmul.f32 v5, v1  }
0xae: {  	[tilespmem:s0+$0x17900] =	vst v2;
	v2 =	vadd.f32 v3, v6  }
0xaf: {  	[tilespmem:s0+$0x17910] =	vst v5;
	v3 =	vadd.f32 v4, v7  }
0xb0: {  	[tilespmem:s0+$0xB100] =	vst v2  }
0xb1: {  	[tilespmem:s0+$0xB110] =	vst v3  }
0xb2: {  	[spmem:s8] =	stream.linear.scatter [tilespmem:s21], [sflag:$0x1], $0x2800, $0x38;
	[tilespmem:$0x1A200] =	vst v63  }
0xb3: {  	_ =	swait.ge [sflag:s18], $0x2800  }
0xb4: {  	[sflag:s18] =	ssyncset.done $0x0  }
0xb5: {  	[sflag:s18] =	ssyncadd.s32 $0xFFFFD800  }
0xb6: {  	[spmem:s9] =	stream.linear.scatter [tilespmem:s20], [sflag:$0x1], $0x2800, $0x38;
	[tilespmem:$0x1A200] =	vst v63  }
0xb7: {  	_ =	swait.ge [sflag:s18], $0x2800  }
0xb8: {  	[sflag:s18] =	ssyncset.done $0x0  }
0xb9: {  	[sflag:s18] =	ssyncadd.s32 $0xFFFFD800  }
0xba: {  	[tilespmem:s20], [sflag:$0x1] =	stream.linear.gather [spmem:s12], $0x2800, $0x38;
	[tilespmem:$0x1A200] =	vst v63  }
0xbb: {  	_ =	swait.ge [sflag:s18], $0x2800  }
0xbc: {  	[sflag:s18] =	ssyncset.done $0x0  }
0xbd: {  	[sflag:s18] =	ssyncadd.s32 $0xFFFFD800  }
0xbe: {  	[tilespmem:s21], [sflag:$0x1] =	stream.linear.gather [spmem:s11], $0x2800, $0x38;
	[tilespmem:$0x1A200] =	vst v63  }
0xbf: {  	_ =	swait.ge [sflag:s18], $0x2800  }
0xc0: {  	[sflag:s18] =	ssyncset.done $0x0  }
0xc1: {  	s30 =	simm.s32 $0x0;
	[sflag:s18] =	ssyncadd.s32 $0xFFFFD800  }
0xc2: {  	v2 =	vld [tilespmem:s30+$0x15100]  }
0xc3: {  	v5 =	vld [tilespmem:s30+$0x15110]  }
0xc4: {  	v6 =	vld [tilespmem:s30+$0x17900]  }
0xc5: {  	v7 =	vld [tilespmem:s30+$0x17910]  }
0xc6: {  	v4 =	vld [tilespmem:s30+$0x12900]  }
0xc7: {  	v3 =	vld [tilespmem:s30+$0x12910];
	_ =	sdelay $0x1  }
0xc8: {  	[tilespmem:s30+$0x15100] =	vst v0;
	v6 =	vadd.f32 v6, v2  }
0xc9: {  	s31 =	simm.s32 $0x80;
	s1 =	simm.s32 $0x100;
	[tilespmem:s30+$0x15110] =	vst v0;
	v2 =	vld [tilespmem:s30+$0xD900];
	v5 =	vadd.f32 v7, v5  }
.LBB2_11:
0xca: {  	p0 =	sne.s32 s1, $0x9F80;
	s0 =	sshra.s32 s31, $0x2;
	v4 =	vmul.f32 v4, v6;
	v6 =	vld [tilespmem:s30+$0xD910];
	s31 =	smov.u32 s1  }
0xcb: {  	v7 =	vld [tilespmem:s0+$0x15100];
	[tilespmem:s0+$0x15100] =	vst v0;
	v3 =	vmul.f32 v3, v5  }
0xcc: {  	v5 =	vld [tilespmem:s0+$0x15110];
	[tilespmem:s30+$0x17900] =	vst v4;
	v4 =	vmul.f32 v4, v1  }
0xcd: {  	v8 =	vld [tilespmem:s0+$0x17900];
	[tilespmem:s30+$0x17910] =	vst v3;
	v3 =	vmul.f32 v3, v1  }
0xce: {  	v9 =	vld [tilespmem:s0+$0x17910];
	[tilespmem:s0+$0x15110] =	vst v0;
	v2 =	vadd.f32 v2, v4  }
.Ltmp4:
0xcf: {  	v4 =	vld [tilespmem:s0+$0x12900];
	v6 =	vadd.f32 v6, v3;
	(pc) =	sbr.rel @p0 .LBB2_11-.Ltmp4, $4  }
0xd0: {  	v3 =	vld [tilespmem:s0+$0x12910];
	[tilespmem:s30+$0xD900] =	vst v2  }
0xd1: {  	[tilespmem:s30+$0xD910] =	vst v6;
	s30 =	smov.u32 s0  }
0xd2: {  	v6 =	vadd.f32 v8, v7  }
0xd3: {  	s1 =	sadd.s32 $0x80, s1;
	v2 =	vld [tilespmem:s30+$0xD900];
	v5 =	vadd.f32 v9, v5  }
0xd4: {  	s0 =	sshra.s32 s31, $0x2;
	v7 =	vld [tilespmem:s30+$0xD910];
	v4 =	vmul.f32 v4, v6  }
0xd5: {  	v57 =	vld [tilespmem:s0+$0x15100];
	[tilespmem:s0+$0x15100] =	vst v0;
	v3 =	vmul.f32 v3, v5  }
0xd6: {  	v8 =	vld [tilespmem:s0+$0x15110];
	[tilespmem:s30+$0x17900] =	vst v4  }
0xd7: {  	v4 =	vmul.f32 v4, v1;
	v58 =	vld [tilespmem:s0+$0x17900];
	[tilespmem:s30+$0x17910] =	vst v3  }
0xd8: {  	v3 =	vmul.f32 v3, v1;
	v9 =	vld [tilespmem:s0+$0x17910]  }
0xd9: {  	v2 =	vadd.f32 v2, v4;
	v59 =	vld [tilespmem:s0+$0x12900]  }
0xda: {  	[tilespmem:s0+$0x15110] =	vst v0;
	v60 =	vld [tilespmem:s0+$0x12910];
	v3 =	vadd.f32 v7, v3  }
0xdb: {  	[tilespmem:s30+$0xD900] =	vst v2  }
0xdc: {  	[tilespmem:s30+$0xD910] =	vst v3;
	v2 =	vadd.f32 v58, v57  }
0xdd: {  	v3 =	vld [tilespmem:s0+$0xD900];
	v61 =	vadd.f32 v9, v8  }
0xde: {  	v62 =	vld [tilespmem:s0+$0xD910];
	v2 =	vmul.f32 v59, v2  }
0xdf: {  	v5 =	vmul.f32 v60, v61  }
0xe0: {  	v63 =	vmul.f32 v2, v1  }
0xe1: {  	v1 =	vmul.f32 v5, v1  }
0xe2: {  	[tilespmem:s0+$0x17900] =	vst v2;
	v2 =	vadd.f32 v3, v63  }
0xe3: {  	[tilespmem:s0+$0x17910] =	vst v5;
	v1 =	vadd.f32 v62, v1  }
0xe4: {  	[tilespmem:s0+$0xD900] =	vst v2  }
0xe5: {  	[tilespmem:s0+$0xD910] =	vst v1  }
0xe6: {  	[spmem:s11] =	stream.linear.scatter [tilespmem:s21], [sflag:$0x1], $0x2800, $0x38;
	[tilespmem:$0x1A200] =	vst v63  }
0xe7: {  	_ =	swait.ge [sflag:s18], $0x2800  }
0xe8: {  	s29 =	sadd.s32 $0x1, s29;
	[sflag:s18] =	ssyncset.done $0x0  }
0xe9: {  	p0 =	sne.s32 s29, $0xB;
	[sflag:s18] =	ssyncadd.s32 $0xFFFFD800  }
0xea: {  	[spmem:s12] =	stream.linear.scatter [tilespmem:s20], [sflag:$0x1], $0x2800, $0x38;
	[tilespmem:$0x1A200] =	vst v63  }
.Ltmp5:
0xeb: {  	_ =	swait.ge [sflag:s18], $0x2800;
	(pc) =	sbr.rel @p0 .LBB2_6-.Ltmp5, $3  }
0xec: {  	[sflag:s18] =	ssyncset.done $0x0  }
0xed: {  	[sflag:s18] =	ssyncadd.s32 $0xFFFFD800  }
0xee: {  	[bflag:$0x0] =	sbarrier.arrive $0xFFFF;
	_ =	sdelay $0x1  }
0xef: {  	s28 =	sadd.s32 $0x1, s28  }
0xf0: {  	p0 =	sne.s32 s28, s14  }
.Ltmp6:
0xf1: {  	_ = 	snop;
	(pc) =	sbr.rel @p0 .LBB2_1-.Ltmp6, $4  }
0xf2: {  	[hbm4b:s13+s4] =	stream.linear.scatter [tilespmem:s26], [sflag:$0x1], $0x5000, $0x38;
	[tilespmem:$0x1A200] =	vst v63  }
0xf3: {  	_ =	swait.ge [sflag:s18], $0x5000  }
0xf4: {  	[sflag:s18] =	ssyncset.done $0x0  }
0xf5: {  	[sflag:s18] =	ssyncadd.s32 $0xFFFFB000  }
0xf6: {  	_ =	sfence.sel $0x180000  }
0xf7: {  	[bflag:$0x0] =	sbarrier.arrive $0xFFFF  }
0xf8: {  	_ =	strace $0x9000004A  }
0xf9: {  	s0 =	stileid.u32;
	[bflag:$0x2] =	sbarrier.arrive $0xFFFF  }
0xfa: {  	p0 =	sne.s32 s0, $0x0;
	s0 =	rddreg [dreg:$0x4]  }
0xfb: {  	s0 =	sadd.s32 @!p0 $0x100000, s0  }
0xfc: {  	[sflag:s0] =	ssyncadd.tile.s32 @!p0 $0x1;
	_ =	shalt  }
.Lfunc_end2:
_tile_overlayer_lowered:
.L_overlay_start_2:
0xfd: {  	(tag) =	ssettag $0x2  }
0xfe: {  	s0 =	rddreg [dreg:$0x0];
	s2 =	stileid.u32  }
0xff: {  	s1 =	rddreg [dreg:$0x1];
	p0 =	sne.s32 s2, $0x0  }
0x100: {  	s3 =	rddreg [dreg:$0x2];
	[bflag:$0x3] =	sbarrier.arrive $0xFFFF;
	s2 =	simm.s32 @!p0 $0x1C01  }
0x101: {  	[timem:s3], [sflag:s2] =	dma.local @!p0 [hbm:s0], s1  }
0x102: {  	s0 =	simm.s32 @!p0 $0x1  }
0x103: {  	_ =	swait.ge @!p0 [sflag:s0], s1  }
0x104: {  	s1 =	ssub.s32 @!p0 $0x0, s1;
	[sflag:s0] =	ssyncset.done @!p0 $0x0  }
0x105: {  	[sflag:s0] =	ssyncadd.s32 @!p0 s1  }
0x106: {  	[bflag:$0x3] =	sbarrier.arrive $0xFFFF  }
0x107: {  	_ =	shalt  }

</sc_bundles>
